<compile_context>
chip_gen: v7x
topology: tpu7x:2x2x1
jax: 0.10.2.dev20260603
libtpu: 0.0.44.dev20260713+nightly
codegen_flags: <defaults>
</compile_context>

<pallas_src>
import functools

import jax
import jax.numpy as jnp
from jax import lax
from jax.experimental import pallas as pl
from jax.experimental.pallas import tpu as pltpu
from jax.experimental.pallas import tpu_sc as plsc

_NUM_CORES = 2
_NUM_SUBCORES = 16
_CH = 64


def _pad_nodes(n):
    return -(-n // (8 * _NUM_SUBCORES)) * 8 * _NUM_SUBCORES


def _prep_indices(src, dst, e, workers, trash_row):
    per = -(-e // (workers * _CH))
    per += per % 2
    pad = workers * per * _CH - e
    src_p = jnp.concatenate([src, jnp.zeros((pad,), jnp.int32)])
    dst_p = jnp.concatenate([dst, jnp.full((pad,), trash_row, jnp.int32)])
    return src_p, dst_p, per


def _make_sc_agg(n, d, nch):
    n_pad = _pad_nodes(n)
    rps = n_pad // _NUM_SUBCORES
    mesh = plsc.VectorSubcoreMesh(core_axis_name="c", subcore_axis_name="s")

    @functools.partial(
        pl.kernel,
        out_type=[jax.ShapeDtypeStruct((n_pad, d), jnp.float32),
                  jax.ShapeDtypeStruct((n_pad, d), jnp.float32)],
        mesh=mesh,
        scratch_types=[
            pltpu.VMEM_SHARED((n_pad, d), jnp.float32),
            pltpu.VMEM((1, _CH), jnp.int32),
            pltpu.VMEM((1, _CH), jnp.int32),
            pltpu.VMEM((1, _CH), jnp.int32),
            pltpu.VMEM((1, _CH), jnp.int32),
            pltpu.VMEM((_CH, d), jnp.float32),
            pltpu.VMEM((_CH, d), jnp.float32),
            pltpu.SemaphoreType.DMA,
            pltpu.SemaphoreType.DMA,
            pltpu.SemaphoreType.DMA,
            pltpu.SemaphoreType.DMA,
        ],
    )
    def k(feat_hbm, zeros_hbm, src_hbm, dst_hbm, out0_hbm, out1_hbm,
          acc, sa, da, sb, db, rows0, rows1, sia, sib, s0, s1):
        cid = lax.axis_index("c")
        sid = lax.axis_index("s")
        wid = cid * _NUM_SUBCORES + sid
        base = wid * nch * _CH
        pltpu.sync_copy(zeros_hbm.at[pl.ds(sid * rps, rps)],
                        acc.at[pl.ds(sid * rps, rps)])
        plsc.subcore_barrier()

        @pl.loop(0, nch, step=2)
        def _(j):
            o0 = pl.multiple_of(base + j * _CH, 8)
            o1 = pl.multiple_of(base + (j + 1) * _CH, 8)
            ia0 = pltpu.async_copy(src_hbm.at[pl.ds(o0, _CH)], sa.at[0], sia)
            ia1 = pltpu.async_copy(dst_hbm.at[pl.ds(o0, _CH)], da.at[0], sia)
            ib0 = pltpu.async_copy(src_hbm.at[pl.ds(o1, _CH)], sb.at[0], sib)
            ib1 = pltpu.async_copy(dst_hbm.at[pl.ds(o1, _CH)], db.at[0], sib)
            ia0.wait()
            ia1.wait()
            g0 = pltpu.async_copy(feat_hbm.at[sa.at[0]], rows0, s0)
            ib0.wait()
            ib1.wait()
            g1 = pltpu.async_copy(feat_hbm.at[sb.at[0]], rows1, s1)
            g0.wait()
            pltpu.sync_copy(rows0, acc.at[da.at[0]], add=True)
            g1.wait()
            pltpu.sync_copy(rows1, acc.at[db.at[0]], add=True)

        plsc.subcore_barrier()

        @pl.when(cid == 0)
        def _():
            pltpu.sync_copy(acc.at[pl.ds(sid * rps, rps)],
                            out0_hbm.at[pl.ds(sid * rps, rps)])

        @pl.when(cid == 1)
        def _():
            pltpu.sync_copy(acc.at[pl.ds(sid * rps, rps)],
                            out1_hbm.at[pl.ds(sid * rps, rps)])

    return k


def _tc_layer1(x, p0, p1, w, b):
    n, d_in = x.shape
    d_out = w.shape[1]
    dh = d_out // 2
    br = 1000
    grid = (n // br,)

    def body(x_ref, p0_ref, p1_ref, w_ref, b_ref, o0_ref, o1_ref):
        h = x_ref[...] + p0_ref[...] + p1_ref[...]
        y = lax.dot_general(h, w_ref[...], (((1,), (0,)), ((), ())),
                            precision=lax.Precision.HIGHEST,
                            preferred_element_type=jnp.float32)
        y = jnp.maximum(y + b_ref[...], 0.0)
        o0_ref[...] = y[:, :dh]
        o1_ref[...] = y[:, dh:]

    return pl.pallas_call(
        body,
        grid=grid,
        in_specs=[
            pl.BlockSpec((br, d_in), lambda i: (i, 0)),
            pl.BlockSpec((br, d_in), lambda i: (i, 0)),
            pl.BlockSpec((br, d_in), lambda i: (i, 0)),
            pl.BlockSpec((d_in, d_out), lambda i: (0, 0)),
            pl.BlockSpec((1, d_out), lambda i: (0, 0)),
        ],
        out_specs=[
            pl.BlockSpec((br, dh), lambda i: (i, 0)),
            pl.BlockSpec((br, dh), lambda i: (i, 0)),
        ],
        out_shape=[jax.ShapeDtypeStruct((n, dh), jnp.float32),
                   jax.ShapeDtypeStruct((n, dh), jnp.float32)],
    )(x, p0, p1, w, b.reshape(1, d_out))


def _tc_layer2(h0, h1, q0a, q0b, q1a, q1b, w, b):
    n, dh = h0.shape
    d_out = w.shape[1]
    br = 1000
    grid = (n // br,)

    def body(h0_ref, h1_ref, a_ref, b2_ref, c_ref, d_ref, w_ref, bias_ref,
             o_ref):
        h = jnp.concatenate(
            [h0_ref[...] + a_ref[...] + b2_ref[...],
             h1_ref[...] + c_ref[...] + d_ref[...]], axis=1)
        y = lax.dot_general(h, w_ref[...], (((1,), (0,)), ((), ())),
                            precision=lax.Precision.HIGHEST,
                            preferred_element_type=jnp.float32)
        o_ref[...] = y + bias_ref[...]

    row_spec = pl.BlockSpec((br, dh), lambda i: (i, 0))
    return pl.pallas_call(
        body,
        grid=grid,
        in_specs=[
            row_spec, row_spec, row_spec, row_spec, row_spec, row_spec,
            pl.BlockSpec((2 * dh, d_out), lambda i: (0, 0)),
            pl.BlockSpec((1, d_out), lambda i: (0, 0)),
        ],
        out_specs=pl.BlockSpec((br, d_out), lambda i: (i, 0)),
        out_shape=jax.ShapeDtypeStruct((n, d_out), jnp.float32),
    )(h0, h1, q0a, q0b, q1a, q1b, w, b.reshape(1, d_out))


def kernel(x, edge_index, W1, b1, W2, b2):
    n, d_in = x.shape
    e = edge_index.shape[1]
    d_hid = W1.shape[1]
    dh = d_hid // 2

    src = edge_index[0].astype(jnp.int32)
    dst = edge_index[1].astype(jnp.int32)

    n_pad = _pad_nodes(n)
    zeros = jnp.zeros((n_pad, d_in), jnp.float32)

    w_all = _NUM_CORES * _NUM_SUBCORES
    src_p, dst_p, nch = _prep_indices(src, dst, e, w_all, n)

    sc = _make_sc_agg(n, d_in, nch)
    p0, p1 = sc(x, zeros, src_p, dst_p)
    h0, h1 = _tc_layer1(x, p0, p1, W1, b1)

    q0a, q0b = sc(h0, zeros, src_p, dst_p)
    q1a, q1b = sc(h1, zeros, src_p, dst_p)
    return _tc_layer2(h0, h1, q0a, q0b, q1a, q1b, W2, b2)

# --- scband reference (transcript-rebuilt; emitter-appended) ---
"""Pipeline reference for scband-gin-5566277616141 (READ-ONLY COPY).

The authoritative reference and input builder live on the scoring server;
editing this copy changes nothing except your own understanding.
"""

import jax, jax.numpy as jnp
import numpy as np

N = 10000
E = 320000
D_IN = 128
D_HID = 256
D_OUT = 128


def setup_inputs(seed: int = 0) -> dict:
    key = jax.random.key(seed)
    k1, k2, k3, k4, k5, k6 = jax.random.split(key, 6)
    x = jax.random.normal(k1, (N, D_IN), dtype=jnp.float32)
    edge_index = jax.random.randint(k2, (2, E), 0, N, dtype=jnp.int64)
    # GINConv layer 1: linear D_IN -> D_HID applied to (1+eps)*x + sum_neighbors
    W1 = jax.random.normal(k3, (D_IN, D_HID), dtype=jnp.float32) * (1.0 / np.sqrt(D_IN))
    b1 = jnp.zeros((D_HID,), dtype=jnp.float32)
    # GINConv layer 2: linear D_HID -> D_OUT
    W2 = jax.random.normal(k4, (D_HID, D_OUT), dtype=jnp.float32) * (1.0 / np.sqrt(D_HID))
    b2 = jnp.zeros((D_OUT,), dtype=jnp.float32)
    return {"x": x, "edge_index": edge_index, "W1": W1, "b1": b1, "W2": W2, "b2": b2}


def _gin_conv(x, src, dst, W, b, eps=0.0):
    # sum aggregation of neighbor messages (scatter-add by destination node)
    agg = jnp.zeros_like(x).at[dst].add(x[src])
    h = (1.0 + eps) * x + agg
    return h @ W + b


def reference(x, edge_index, W1, b1, W2, b2):
    src = edge_index[0]
    dst = edge_index[1]
    h = _gin_conv(x, src, dst, W1, b1)
    h = jax.nn.relu(h)
    # F.dropout(x, 0.1) treated as identity (eval-mode reference)
    out = _gin_conv(h, src, dst, W2, b2)
    return out

if __name__ == "__main__":
    import jax
    _d = setup_inputs()
    print(jax.jit(kernel)(*tuple(_d.values())))

</pallas_src>

<mosaic_0001>
#map = affine_map<(d0, d1) -> (0, 0)>
#map1 = affine_map<(d0, d1) -> (0)>
module attributes {stable_mosaic.version = 14 : i64} {
  func.func @k(%arg0: i32, %arg1: i32, %arg2: memref<10000x128xf32, #tpu.memory_space<hbm>>, %arg3: memref<10112x128xf32, #tpu.memory_space<hbm>>, %arg4: memref<323584xi32, #tpu.memory_space<hbm>>, %arg5: memref<323584xi32, #tpu.memory_space<hbm>>, %arg6: memref<10112x128xf32, #tpu.memory_space<hbm>>, %arg7: memref<10112x128xf32, #tpu.memory_space<hbm>>, %arg8: memref<10112x128xf32, #tpu.memory_space<vmem_shared>>, %arg9: memref<1x64xi32, #tpu.memory_space<vmem>>, %arg10: memref<1x64xi32, #tpu.memory_space<vmem>>, %arg11: memref<1x64xi32, #tpu.memory_space<vmem>>, %arg12: memref<1x64xi32, #tpu.memory_space<vmem>>, %arg13: memref<64x128xf32, #tpu.memory_space<vmem>>, %arg14: memref<64x128xf32, #tpu.memory_space<vmem>>, %arg15: memref<!tpu.dma_semaphore, #tpu.memory_space<semaphore_mem>>, %arg16: memref<!tpu.dma_semaphore, #tpu.memory_space<semaphore_mem>>, %arg17: memref<!tpu.dma_semaphore, #tpu.memory_space<semaphore_mem>>, %arg18: memref<!tpu.dma_semaphore, #tpu.memory_space<semaphore_mem>>) attributes {dimension_semantics = [#tpu.dimension_semantics<core_parallel>, #tpu.dimension_semantics<subcore_parallel>], iteration_bounds = array<i64: 2, 16>, scalar_prefetch = 0 : i64, scratch_operands = 11 : i64, tpu.core_type = #tpu.core_type<sc_vector_subcore>, window_params = [{transform_indices = #map}, {transform_indices = #map}, {transform_indices = #map1}, {transform_indices = #map1}, {transform_indices = #map}, {transform_indices = #map}]} {
    %mul3A = arith.constant 16 : i32
    %mul3A_0 = arith.muli %arg0, %mul3A : i32
    %add3A = arith.addi %mul3A_0, %arg1 : i32
    %mul3A_1 = arith.constant 158 : i32
    %mul3A_2 = arith.muli %add3A, %mul3A_1 : i32
    %mul3A_3 = arith.constant 64 : i32
    %mul3A_4 = arith.muli %mul3A_2, %mul3A_3 : i32
    %mul3A_5 = arith.constant 632 : i32
    %mul3A_6 = arith.muli %arg1, %mul3A_5 : i32
    %mul3A_7 = arith.constant 632 : i32
    %mul3A_8 = arith.muli %arg1, %mul3A_7 : i32
    "tpu.region"() ({
      %run_scoped3A = tpu.sem_alloc : memref<!tpu.dma_semaphore, #tpu.memory_space<semaphore_mem>>
      %dma_start3A = arith.constant 0 : i32
      %dma_start3A_21 = tpu.memref_slice %arg8[%mul3A_8, %dma_start3A] : memref<10112x128xf32, #tpu.memory_space<vmem_shared>> -> memref<632x128xf32, #tpu.memory_space<vmem_shared>>
      %dma_start3A_22 = arith.constant 0 : i32
      %dma_start3A_23 = tpu.memref_slice %arg3[%mul3A_6, %dma_start3A_22] : memref<10112x128xf32, #tpu.memory_space<hbm>> -> memref<632x128xf32, #tpu.memory_space<hbm>>
      tpu.enqueue_dma source(%dma_start3A_23 : memref<632x128xf32, #tpu.memory_space<hbm>>) target(%dma_start3A_21 : memref<632x128xf32, #tpu.memory_space<vmem_shared>>) target_semaphore(%run_scoped3A : memref<!tpu.dma_semaphore, #tpu.memory_space<semaphore_mem>>)
      %dma_wait3A = arith.constant 0 : i32
      %dma_wait3A_24 = tpu.memref_slice %arg8[%mul3A_8, %dma_wait3A] : memref<10112x128xf32, #tpu.memory_space<vmem_shared>> -> memref<632x128xf32, #tpu.memory_space<vmem_shared>>
      %dma_wait3A_25 = arith.constant 0 : i32
      %dma_wait3A_26 = tpu.memref_slice %arg3[%mul3A_6, %dma_wait3A_25] : memref<10112x128xf32, #tpu.memory_space<hbm>> -> memref<632x128xf32, #tpu.memory_space<hbm>>
      tpu.wait_dma2 semaphore(%run_scoped3A : memref<!tpu.dma_semaphore, #tpu.memory_space<semaphore_mem>>) src(%dma_wait3A_26 : memref<632x128xf32, #tpu.memory_space<hbm>>) dst(%dma_wait3A_24 : memref<632x128xf32, #tpu.memory_space<vmem_shared>>)
      tpu.yield
    }) : () -> ()
    %barrier3A = arith.constant 0 : index
    tpu.barrier barrier_id(%barrier3A)
    %scan3A = arith.constant 0 : i32
    %scan3A_9 = arith.constant 79 : i32
    %scan3A_10 = arith.addi %scan3A, %scan3A_9 : i32
    %scan3A_11 = arith.constant 1 : i32
    scf.for %scan3A_21 = %scan3A to %scan3A_10 step %scan3A_11  : i32 {
      %mul3A_22 = arith.constant 2 : i32
      %mul3A_23 = arith.muli %scan3A_21, %mul3A_22 : i32
      %add3A_24 = arith.constant 0 : i32
      %add3A_25 = arith.addi %add3A_24, %mul3A_23 : i32
      %mul3A_26 = arith.constant 64 : i32
      %mul3A_27 = arith.muli %add3A_25, %mul3A_26 : i32
      %add3A_28 = arith.addi %mul3A_4, %mul3A_27 : i32
      %multiple_of3A = tpu.assume_multiple %add3A_28, 8 : i32
      %add3A_29 = arith.constant 1 : i32
      %add3A_30 = arith.addi %add3A_25, %add3A_29 : i32
      %mul3A_31 = arith.constant 64 : i32
      %mul3A_32 = arith.muli %add3A_30, %mul3A_31 : i32
      %add3A_33 = arith.addi %mul3A_4, %mul3A_32 : i32
      %multiple_of3A_34 = tpu.assume_multiple %add3A_33, 8 : i32
      %dma_start3A = arith.constant 0 : i32
      %dma_start3A_35 = arith.constant 0 : i32
      %dma_start3A_36 = tpu.memref_slice %arg9[%dma_start3A, %dma_start3A_35] : memref<1x64xi32, #tpu.memory_space<vmem>> -> memref<1x64xi32, #tpu.memory_space<vmem>>
      %dma_start3A_37 = tpu.memref_squeeze %dma_start3A_36 : memref<1x64xi32, #tpu.memory_space<vmem>> -> memref<64xi32, #tpu.memory_space<vmem>>
      %dma_start3A_38 = tpu.memref_slice %arg4[%multiple_of3A] : memref<323584xi32, #tpu.memory_space<hbm>> -> memref<64xi32, #tpu.memory_space<hbm>>
      %dma_start3A_39 = arith.constant 0 : i32
      %dma_start3A_40 = tpu.memref_slice %arg9[%dma_start3A, %dma_start3A_39] : memref<1x64xi32, #tpu.memory_space<vmem>> -> memref<1x64xi32, #tpu.memory_space<vmem>>
      %dma_start3A_41 = tpu.memref_squeeze %dma_start3A_40 : memref<1x64xi32, #tpu.memory_space<vmem>> -> memref<64xi32, #tpu.memory_space<vmem>>
      %dma_start3A_42 = tpu.memref_slice %arg4[%multiple_of3A] : memref<323584xi32, #tpu.memory_space<hbm>> -> memref<64xi32, #tpu.memory_space<hbm>>
      tpu.enqueue_dma source(%dma_start3A_42 : memref<64xi32, #tpu.memory_space<hbm>>) target(%dma_start3A_41 : memref<64xi32, #tpu.memory_space<vmem>>) target_semaphore(%arg15 : memref<!tpu.dma_semaphore, #tpu.memory_space<semaphore_mem>>)
      %dma_start3A_43 = arith.constant 0 : i32
      %dma_start3A_44 = arith.constant 0 : i32
      %dma_start3A_45 = tpu.memref_slice %arg10[%dma_start3A_43, %dma_start3A_44] : memref<1x64xi32, #tpu.memory_space<vmem>> -> memref<1x64xi32, #tpu.memory_space<vmem>>
      %dma_start3A_46 = tpu.memref_squeeze %dma_start3A_45 : memref<1x64xi32, #tpu.memory_space<vmem>> -> memref<64xi32, #tpu.memory_space<vmem>>
      %dma_start3A_47 = tpu.memref_slice %arg5[%multiple_of3A] : memref<323584xi32, #tpu.memory_space<hbm>> -> memref<64xi32, #tpu.memory_space<hbm>>
      %dma_start3A_48 = arith.constant 0 : i32
      %dma_start3A_49 = tpu.memref_slice %arg10[%dma_start3A_43, %dma_start3A_48] : memref<1x64xi32, #tpu.memory_space<vmem>> -> memref<1x64xi32, #tpu.memory_space<vmem>>
      %dma_start3A_50 = tpu.memref_squeeze %dma_start3A_49 : memref<1x64xi32, #tpu.memory_space<vmem>> -> memref<64xi32, #tpu.memory_space<vmem>>
      %dma_start3A_51 = tpu.memref_slice %arg5[%multiple_of3A] : memref<323584xi32, #tpu.memory_space<hbm>> -> memref<64xi32, #tpu.memory_space<hbm>>
      tpu.enqueue_dma source(%dma_start3A_51 : memref<64xi32, #tpu.memory_space<hbm>>) target(%dma_start3A_50 : memref<64xi32, #tpu.memory_space<vmem>>) target_semaphore(%arg15 : memref<!tpu.dma_semaphore, #tpu.memory_space<semaphore_mem>>)
      %dma_start3A_52 = arith.constant 0 : i32
      %dma_start3A_53 = arith.constant 0 : i32
      %dma_start3A_54 = tpu.memref_slice %arg11[%dma_start3A_52, %dma_start3A_53] : memref<1x64xi32, #tpu.memory_space<vmem>> -> memref<1x64xi32, #tpu.memory_space<vmem>>
      %dma_start3A_55 = tpu.memref_squeeze %dma_start3A_54 : memref<1x64xi32, #tpu.memory_space<vmem>> -> memref<64xi32, #tpu.memory_space<vmem>>
      %dma_start3A_56 = tpu.memref_slice %arg4[%multiple_of3A_34] : memref<323584xi32, #tpu.memory_space<hbm>> -> memref<64xi32, #tpu.memory_space<hbm>>
      %dma_start3A_57 = arith.constant 0 : i32
      %dma_start3A_58 = tpu.memref_slice %arg11[%dma_start3A_52, %dma_start3A_57] : memref<1x64xi32, #tpu.memory_space<vmem>> -> memref<1x64xi32, #tpu.memory_space<vmem>>
      %dma_start3A_59 = tpu.memref_squeeze %dma_start3A_58 : memref<1x64xi32, #tpu.memory_space<vmem>> -> memref<64xi32, #tpu.memory_space<vmem>>
      %dma_start3A_60 = tpu.memref_slice %arg4[%multiple_of3A_34] : memref<323584xi32, #tpu.memory_space<hbm>> -> memref<64xi32, #tpu.memory_space<hbm>>
      tpu.enqueue_dma source(%dma_start3A_60 : memref<64xi32, #tpu.memory_space<hbm>>) target(%dma_start3A_59 : memref<64xi32, #tpu.memory_space<vmem>>) target_semaphore(%arg16 : memref<!tpu.dma_semaphore, #tpu.memory_space<semaphore_mem>>)
      %dma_start3A_61 = arith.constant 0 : i32
      %dma_start3A_62 = arith.constant 0 : i32
      %dma_start3A_63 = tpu.memref_slice %arg12[%dma_start3A_61, %dma_start3A_62] : memref<1x64xi32, #tpu.memory_space<vmem>> -> memref<1x64xi32, #tpu.memory_space<vmem>>
      %dma_start3A_64 = tpu.memref_squeeze %dma_start3A_63 : memref<1x64xi32, #tpu.memory_space<vmem>> -> memref<64xi32, #tpu.memory_space<vmem>>
      %dma_start3A_65 = tpu.memref_slice %arg5[%multiple_of3A_34] : memref<323584xi32, #tpu.memory_space<hbm>> -> memref<64xi32, #tpu.memory_space<hbm>>
      %dma_start3A_66 = arith.constant 0 : i32
      %dma_start3A_67 = tpu.memref_slice %arg12[%dma_start3A_61, %dma_start3A_66] : memref<1x64xi32, #tpu.memory_space<vmem>> -> memref<1x64xi32, #tpu.memory_space<vmem>>
      %dma_start3A_68 = tpu.memref_squeeze %dma_start3A_67 : memref<1x64xi32, #tpu.memory_space<vmem>> -> memref<64xi32, #tpu.memory_space<vmem>>
      %dma_start3A_69 = tpu.memref_slice %arg5[%multiple_of3A_34] : memref<323584xi32, #tpu.memory_space<hbm>> -> memref<64xi32, #tpu.memory_space<hbm>>
      tpu.enqueue_dma source(%dma_start3A_69 : memref<64xi32, #tpu.memory_space<hbm>>) target(%dma_start3A_68 : memref<64xi32, #tpu.memory_space<vmem>>) target_semaphore(%arg16 : memref<!tpu.dma_semaphore, #tpu.memory_space<semaphore_mem>>)
      %dma_wait3A = arith.constant 0 : i32
      %dma_wait3A_70 = arith.constant 0 : i32
      %dma_wait3A_71 = tpu.memref_slice %arg9[%dma_wait3A, %dma_wait3A_70] : memref<1x64xi32, #tpu.memory_space<vmem>> -> memref<1x64xi32, #tpu.memory_space<vmem>>
      %dma_wait3A_72 = tpu.memref_squeeze %dma_wait3A_71 : memref<1x64xi32, #tpu.memory_space<vmem>> -> memref<64xi32, #tpu.memory_space<vmem>>
      %dma_wait3A_73 = tpu.memref_slice %arg4[%multiple_of3A] : memref<323584xi32, #tpu.memory_space<hbm>> -> memref<64xi32, #tpu.memory_space<hbm>>
      %dma_wait3A_74 = arith.constant 0 : i32
      %dma_wait3A_75 = tpu.memref_slice %arg9[%dma_wait3A, %dma_wait3A_74] : memref<1x64xi32, #tpu.memory_space<vmem>> -> memref<1x64xi32, #tpu.memory_space<vmem>>
      %dma_wait3A_76 = tpu.memref_squeeze %dma_wait3A_75 : memref<1x64xi32, #tpu.memory_space<vmem>> -> memref<64xi32, #tpu.memory_space<vmem>>
      %dma_wait3A_77 = tpu.memref_slice %arg4[%multiple_of3A] : memref<323584xi32, #tpu.memory_space<hbm>> -> memref<64xi32, #tpu.memory_space<hbm>>
      tpu.wait_dma2 semaphore(%arg15 : memref<!tpu.dma_semaphore, #tpu.memory_space<semaphore_mem>>) src(%dma_wait3A_77 : memref<64xi32, #tpu.memory_space<hbm>>) dst(%dma_wait3A_76 : memref<64xi32, #tpu.memory_space<vmem>>)
      %dma_wait3A_78 = arith.constant 0 : i32
      %dma_wait3A_79 = arith.constant 0 : i32
      %dma_wait3A_80 = tpu.memref_slice %arg10[%dma_wait3A_78, %dma_wait3A_79] : memref<1x64xi32, #tpu.memory_space<vmem>> -> memref<1x64xi32, #tpu.memory_space<vmem>>
      %dma_wait3A_81 = tpu.memref_squeeze %dma_wait3A_80 : memref<1x64xi32, #tpu.memory_space<vmem>> -> memref<64xi32, #tpu.memory_space<vmem>>
      %dma_wait3A_82 = tpu.memref_slice %arg5[%multiple_of3A] : memref<323584xi32, #tpu.memory_space<hbm>> -> memref<64xi32, #tpu.memory_space<hbm>>
      %dma_wait3A_83 = arith.constant 0 : i32
      %dma_wait3A_84 = tpu.memref_slice %arg10[%dma_wait3A_78, %dma_wait3A_83] : memref<1x64xi32, #tpu.memory_space<vmem>> -> memref<1x64xi32, #tpu.memory_space<vmem>>
      %dma_wait3A_85 = tpu.memref_squeeze %dma_wait3A_84 : memref<1x64xi32, #tpu.memory_space<vmem>> -> memref<64xi32, #tpu.memory_space<vmem>>
      %dma_wait3A_86 = tpu.memref_slice %arg5[%multiple_of3A] : memref<323584xi32, #tpu.memory_space<hbm>> -> memref<64xi32, #tpu.memory_space<hbm>>
      tpu.wait_dma2 semaphore(%arg15 : memref<!tpu.dma_semaphore, #tpu.memory_space<semaphore_mem>>) src(%dma_wait3A_86 : memref<64xi32, #tpu.memory_space<hbm>>) dst(%dma_wait3A_85 : memref<64xi32, #tpu.memory_space<vmem>>)
      %dma_start3A_87 = arith.constant 0 : i32
      %dma_start3A_88 = arith.constant 0 : i32
      %dma_start3A_89 = tpu.memref_slice %arg9[%dma_start3A_87, %dma_start3A_88] : memref<1x64xi32, #tpu.memory_space<vmem>> -> memref<1x64xi32, #tpu.memory_space<vmem>>
      %dma_start3A_90 = tpu.memref_squeeze %dma_start3A_89 : memref<1x64xi32, #tpu.memory_space<vmem>> -> memref<64xi32, #tpu.memory_space<vmem>>
      %dma_start3A_91 = arith.constant 0 : i32
      %dma_start3A_92 = arith.constant 0 : i32
      %dma_start3A_93 = tpu.memref_slice %arg2[%dma_start3A_91, %dma_start3A_92] : memref<10000x128xf32, #tpu.memory_space<hbm>> -> memref<10000x128xf32, #tpu.memory_space<hbm>>
      tpu.enqueue_indirect_dma source(%dma_start3A_93 : memref<10000x128xf32, #tpu.memory_space<hbm>>) target(%arg13 : memref<64x128xf32, #tpu.memory_space<vmem>>) offsets(%dma_start3A_90 : memref<64xi32, #tpu.memory_space<vmem>>) semaphore(%arg17 : memref<!tpu.dma_semaphore, #tpu.memory_space<semaphore_mem>>)
      %dma_wait3A_94 = arith.constant 0 : i32
      %dma_wait3A_95 = arith.constant 0 : i32
      %dma_wait3A_96 = tpu.memref_slice %arg11[%dma_wait3A_94, %dma_wait3A_95] : memref<1x64xi32, #tpu.memory_space<vmem>> -> memref<1x64xi32, #tpu.memory_space<vmem>>
      %dma_wait3A_97 = tpu.memref_squeeze %dma_wait3A_96 : memref<1x64xi32, #tpu.memory_space<vmem>> -> memref<64xi32, #tpu.memory_space<vmem>>
      %dma_wait3A_98 = tpu.memref_slice %arg4[%multiple_of3A_34] : memref<323584xi32, #tpu.memory_space<hbm>> -> memref<64xi32, #tpu.memory_space<hbm>>
      %dma_wait3A_99 = arith.constant 0 : i32
      %dma_wait3A_100 = tpu.memref_slice %arg11[%dma_wait3A_94, %dma_wait3A_99] : memref<1x64xi32, #tpu.memory_space<vmem>> -> memref<1x64xi32, #tpu.memory_space<vmem>>
      %dma_wait3A_101 = tpu.memref_squeeze %dma_wait3A_100 : memref<1x64xi32, #tpu.memory_space<vmem>> -> memref<64xi32, #tpu.memory_space<vmem>>
      %dma_wait3A_102 = tpu.memref_slice %arg4[%multiple_of3A_34] : memref<323584xi32, #tpu.memory_space<hbm>> -> memref<64xi32, #tpu.memory_space<hbm>>
      tpu.wait_dma2 semaphore(%arg16 : memref<!tpu.dma_semaphore, #tpu.memory_space<semaphore_mem>>) src(%dma_wait3A_102 : memref<64xi32, #tpu.memory_space<hbm>>) dst(%dma_wait3A_101 : memref<64xi32, #tpu.memory_space<vmem>>)
      %dma_wait3A_103 = arith.constant 0 : i32
      %dma_wait3A_104 = arith.constant 0 : i32
      %dma_wait3A_105 = tpu.memref_slice %arg12[%dma_wait3A_103, %dma_wait3A_104] : memref<1x64xi32, #tpu.memory_space<vmem>> -> memref<1x64xi32, #tpu.memory_space<vmem>>
      %dma_wait3A_106 = tpu.memref_squeeze %dma_wait3A_105 : memref<1x64xi32, #tpu.memory_space<vmem>> -> memref<64xi32, #tpu.memory_space<vmem>>
      %dma_wait3A_107 = tpu.memref_slice %arg5[%multiple_of3A_34] : memref<323584xi32, #tpu.memory_space<hbm>> -> memref<64xi32, #tpu.memory_space<hbm>>
      %dma_wait3A_108 = arith.constant 0 : i32
      %dma_wait3A_109 = tpu.memref_slice %arg12[%dma_wait3A_103, %dma_wait3A_108] : memref<1x64xi32, #tpu.memory_space<vmem>> -> memref<1x64xi32, #tpu.memory_space<vmem>>
      %dma_wait3A_110 = tpu.memref_squeeze %dma_wait3A_109 : memref<1x64xi32, #tpu.memory_space<vmem>> -> memref<64xi32, #tpu.memory_space<vmem>>
      %dma_wait3A_111 = tpu.memref_slice %arg5[%multiple_of3A_34] : memref<323584xi32, #tpu.memory_space<hbm>> -> memref<64xi32, #tpu.memory_space<hbm>>
      tpu.wait_dma2 semaphore(%arg16 : memref<!tpu.dma_semaphore, #tpu.memory_space<semaphore_mem>>) src(%dma_wait3A_111 : memref<64xi32, #tpu.memory_space<hbm>>) dst(%dma_wait3A_110 : memref<64xi32, #tpu.memory_space<vmem>>)
      %dma_start3A_112 = arith.constant 0 : i32
      %dma_start3A_113 = arith.constant 0 : i32
      %dma_start3A_114 = tpu.memref_slice %arg11[%dma_start3A_112, %dma_start3A_113] : memref<1x64xi32, #tpu.memory_space<vmem>> -> memref<1x64xi32, #tpu.memory_space<vmem>>
      %dma_start3A_115 = tpu.memref_squeeze %dma_start3A_114 : memref<1x64xi32, #tpu.memory_space<vmem>> -> memref<64xi32, #tpu.memory_space<vmem>>
      %dma_start3A_116 = arith.constant 0 : i32
      %dma_start3A_117 = arith.constant 0 : i32
      %dma_start3A_118 = tpu.memref_slice %arg2[%dma_start3A_116, %dma_start3A_117] : memref<10000x128xf32, #tpu.memory_space<hbm>> -> memref<10000x128xf32, #tpu.memory_space<hbm>>
      tpu.enqueue_indirect_dma source(%dma_start3A_118 : memref<10000x128xf32, #tpu.memory_space<hbm>>) target(%arg14 : memref<64x128xf32, #tpu.memory_space<vmem>>) offsets(%dma_start3A_115 : memref<64xi32, #tpu.memory_space<vmem>>) semaphore(%arg18 : memref<!tpu.dma_semaphore, #tpu.memory_space<semaphore_mem>>)
      %dma_wait3A_119 = arith.constant 0 : i32
      %dma_wait3A_120 = arith.constant 0 : i32
      %dma_wait3A_121 = tpu.memref_slice %arg9[%dma_wait3A_119, %dma_wait3A_120] : memref<1x64xi32, #tpu.memory_space<vmem>> -> memref<1x64xi32, #tpu.memory_space<vmem>>
      %dma_wait3A_122 = tpu.memref_squeeze %dma_wait3A_121 : memref<1x64xi32, #tpu.memory_space<vmem>> -> memref<64xi32, #tpu.memory_space<vmem>>
      %dma_wait3A_123 = arith.constant 0 : i32
      %dma_wait3A_124 = arith.constant 0 : i32
      %dma_wait3A_125 = tpu.memref_slice %arg2[%dma_wait3A_123, %dma_wait3A_124] : memref<10000x128xf32, #tpu.memory_space<hbm>> -> memref<10000x128xf32, #tpu.memory_space<hbm>>
      tpu.wait_indirect_dma semaphore(%arg17 : memref<!tpu.dma_semaphore, #tpu.memory_space<semaphore_mem>>) src(%dma_wait3A_125 : memref<10000x128xf32, #tpu.memory_space<hbm>>) dst(%arg13 : memref<64x128xf32, #tpu.memory_space<vmem>>)
      %run_scoped3A = arith.constant 0 : i32
      "tpu.region"() ({
        %run_scoped3A_134 = tpu.sem_alloc : memref<!tpu.dma_semaphore, #tpu.memory_space<semaphore_mem>>
        %dma_start3A_135 = arith.constant 0 : i32
        %dma_start3A_136 = tpu.memref_slice %arg10[%run_scoped3A, %dma_start3A_135] : memref<1x64xi32, #tpu.memory_space<vmem>> -> memref<1x64xi32, #tpu.memory_space<vmem>>
        %dma_start3A_137 = tpu.memref_squeeze %dma_start3A_136 : memref<1x64xi32, #tpu.memory_space<vmem>> -> memref<64xi32, #tpu.memory_space<vmem>>
        %dma_start3A_138 = arith.constant 0 : i32
        %dma_start3A_139 = arith.constant 0 : i32
        %dma_start3A_140 = tpu.memref_slice %arg8[%dma_start3A_138, %dma_start3A_139] : memref<10112x128xf32, #tpu.memory_space<vmem_shared>> -> memref<10112x128xf32, #tpu.memory_space<vmem_shared>>
        tpu.enqueue_indirect_dma source(%arg13 : memref<64x128xf32, #tpu.memory_space<vmem>>) target(%dma_start3A_140 : memref<10112x128xf32, #tpu.memory_space<vmem_shared>>) offsets(%dma_start3A_137 : memref<64xi32, #tpu.memory_space<vmem>>) semaphore(%run_scoped3A_134 : memref<!tpu.dma_semaphore, #tpu.memory_space<semaphore_mem>>) {add = true}
        %dma_wait3A_141 = arith.constant 0 : i32
        %dma_wait3A_142 = tpu.memref_slice %arg10[%run_scoped3A, %dma_wait3A_141] : memref<1x64xi32, #tpu.memory_space<vmem>> -> memref<1x64xi32, #tpu.memory_space<vmem>>
        %dma_wait3A_143 = tpu.memref_squeeze %dma_wait3A_142 : memref<1x64xi32, #tpu.memory_space<vmem>> -> memref<64xi32, #tpu.memory_space<vmem>>
        %dma_wait3A_144 = arith.constant 0 : i32
        %dma_wait3A_145 = arith.constant 0 : i32
        %dma_wait3A_146 = tpu.memref_slice %arg8[%dma_wait3A_144, %dma_wait3A_145] : memref<10112x128xf32, #tpu.memory_space<vmem_shared>> -> memref<10112x128xf32, #tpu.memory_space<vmem_shared>>
        tpu.wait_indirect_dma semaphore(%run_scoped3A_134 : memref<!tpu.dma_semaphore, #tpu.memory_space<semaphore_mem>>) src(%arg13 : memref<64x128xf32, #tpu.memory_space<vmem>>) dst(%dma_wait3A_146 : memref<10112x128xf32, #tpu.memory_space<vmem_shared>>)
        tpu.yield
      }) : () -> ()
      %dma_wait3A_126 = arith.constant 0 : i32
      %dma_wait3A_127 = arith.constant 0 : i32
      %dma_wait3A_128 = tpu.memref_slice %arg11[%dma_wait3A_126, %dma_wait3A_127] : memref<1x64xi32, #tpu.memory_space<vmem>> -> memref<1x64xi32, #tpu.memory_space<vmem>>
      %dma_wait3A_129 = tpu.memref_squeeze %dma_wait3A_128 : memref<1x64xi32, #tpu.memory_space<vmem>> -> memref<64xi32, #tpu.memory_space<vmem>>
      %dma_wait3A_130 = arith.constant 0 : i32
      %dma_wait3A_131 = arith.constant 0 : i32
      %dma_wait3A_132 = tpu.memref_slice %arg2[%dma_wait3A_130, %dma_wait3A_131] : memref<10000x128xf32, #tpu.memory_space<hbm>> -> memref<10000x128xf32, #tpu.memory_space<hbm>>
      tpu.wait_indirect_dma semaphore(%arg18 : memref<!tpu.dma_semaphore, #tpu.memory_space<semaphore_mem>>) src(%dma_wait3A_132 : memref<10000x128xf32, #tpu.memory_space<hbm>>) dst(%arg14 : memref<64x128xf32, #tpu.memory_space<vmem>>)
      %run_scoped3A_133 = arith.constant 0 : i32
      "tpu.region"() ({
        %run_scoped3A_134 = tpu.sem_alloc : memref<!tpu.dma_semaphore, #tpu.memory_space<semaphore_mem>>
        %dma_start3A_135 = arith.constant 0 : i32
        %dma_start3A_136 = tpu.memref_slice %arg12[%run_scoped3A_133, %dma_start3A_135] : memref<1x64xi32, #tpu.memory_space<vmem>> -> memref<1x64xi32, #tpu.memory_space<vmem>>
        %dma_start3A_137 = tpu.memref_squeeze %dma_start3A_136 : memref<1x64xi32, #tpu.memory_space<vmem>> -> memref<64xi32, #tpu.memory_space<vmem>>
        %dma_start3A_138 = arith.constant 0 : i32
        %dma_start3A_139 = arith.constant 0 : i32
        %dma_start3A_140 = tpu.memref_slice %arg8[%dma_start3A_138, %dma_start3A_139] : memref<10112x128xf32, #tpu.memory_space<vmem_shared>> -> memref<10112x128xf32, #tpu.memory_space<vmem_shared>>
        tpu.enqueue_indirect_dma source(%arg14 : memref<64x128xf32, #tpu.memory_space<vmem>>) target(%dma_start3A_140 : memref<10112x128xf32, #tpu.memory_space<vmem_shared>>) offsets(%dma_start3A_137 : memref<64xi32, #tpu.memory_space<vmem>>) semaphore(%run_scoped3A_134 : memref<!tpu.dma_semaphore, #tpu.memory_space<semaphore_mem>>) {add = true}
        %dma_wait3A_141 = arith.constant 0 : i32
        %dma_wait3A_142 = tpu.memref_slice %arg12[%run_scoped3A_133, %dma_wait3A_141] : memref<1x64xi32, #tpu.memory_space<vmem>> -> memref<1x64xi32, #tpu.memory_space<vmem>>
        %dma_wait3A_143 = tpu.memref_squeeze %dma_wait3A_142 : memref<1x64xi32, #tpu.memory_space<vmem>> -> memref<64xi32, #tpu.memory_space<vmem>>
        %dma_wait3A_144 = arith.constant 0 : i32
        %dma_wait3A_145 = arith.constant 0 : i32
        %dma_wait3A_146 = tpu.memref_slice %arg8[%dma_wait3A_144, %dma_wait3A_145] : memref<10112x128xf32, #tpu.memory_space<vmem_shared>> -> memref<10112x128xf32, #tpu.memory_space<vmem_shared>>
        tpu.wait_indirect_dma semaphore(%run_scoped3A_134 : memref<!tpu.dma_semaphore, #tpu.memory_space<semaphore_mem>>) src(%arg14 : memref<64x128xf32, #tpu.memory_space<vmem>>) dst(%dma_wait3A_146 : memref<10112x128xf32, #tpu.memory_space<vmem_shared>>)
        tpu.yield
      }) : () -> ()
    }
    %scan3A_12 = arith.constant 79 : i32
    %barrier3A_13 = arith.constant 0 : index
    tpu.barrier barrier_id(%barrier3A_13)
    %eq3A = arith.constant 0 : i32
    %eq3A_14 = arith.cmpi eq, %arg0, %eq3A : i32
    %convert_element_type3A = arith.extui %eq3A_14 : i1 to i32
    %cond3A = arith.constant 0 : i32
    %cond3A_15 = arith.cmpi ne, %convert_element_type3A, %cond3A : i32
    scf.if %cond3A_15 {
      %mul3A_21 = arith.constant 632 : i32
      %mul3A_22 = arith.muli %arg1, %mul3A_21 : i32
      %mul3A_23 = arith.constant 632 : i32
      %mul3A_24 = arith.muli %arg1, %mul3A_23 : i32
      "tpu.region"() ({
        %run_scoped3A = tpu.sem_alloc : memref<!tpu.dma_semaphore, #tpu.memory_space<semaphore_mem>>
        %dma_start3A = arith.constant 0 : i32
        %dma_start3A_25 = tpu.memref_slice %arg6[%mul3A_24, %dma_start3A] : memref<10112x128xf32, #tpu.memory_space<hbm>> -> memref<632x128xf32, #tpu.memory_space<hbm>>
        %dma_start3A_26 = arith.constant 0 : i32
        %dma_start3A_27 = tpu.memref_slice %arg8[%mul3A_22, %dma_start3A_26] : memref<10112x128xf32, #tpu.memory_space<vmem_shared>> -> memref<632x128xf32, #tpu.memory_space<vmem_shared>>
        tpu.enqueue_dma source(%dma_start3A_27 : memref<632x128xf32, #tpu.memory_space<vmem_shared>>) target(%dma_start3A_25 : memref<632x128xf32, #tpu.memory_space<hbm>>) target_semaphore(%run_scoped3A : memref<!tpu.dma_semaphore, #tpu.memory_space<semaphore_mem>>)
        %dma_wait3A = arith.constant 0 : i32
        %dma_wait3A_28 = tpu.memref_slice %arg6[%mul3A_24, %dma_wait3A] : memref<10112x128xf32, #tpu.memory_space<hbm>> -> memref<632x128xf32, #tpu.memory_space<hbm>>
        %dma_wait3A_29 = arith.constant 0 : i32
        %dma_wait3A_30 = tpu.memref_slice %arg8[%mul3A_22, %dma_wait3A_29] : memref<10112x128xf32, #tpu.memory_space<vmem_shared>> -> memref<632x128xf32, #tpu.memory_space<vmem_shared>>
        tpu.wait_dma2 semaphore(%run_scoped3A : memref<!tpu.dma_semaphore, #tpu.memory_space<semaphore_mem>>) src(%dma_wait3A_30 : memref<632x128xf32, #tpu.memory_space<vmem_shared>>) dst(%dma_wait3A_28 : memref<632x128xf32, #tpu.memory_space<hbm>>)
        tpu.yield
      }) : () -> ()
    } else {
    }
    %eq3A_16 = arith.constant 1 : i32
    %eq3A_17 = arith.cmpi eq, %arg0, %eq3A_16 : i32
    %convert_element_type3A_18 = arith.extui %eq3A_17 : i1 to i32
    %cond3A_19 = arith.constant 0 : i32
    %cond3A_20 = arith.cmpi ne, %convert_element_type3A_18, %cond3A_19 : i32
    scf.if %cond3A_20 {
      %mul3A_21 = arith.constant 632 : i32
      %mul3A_22 = arith.muli %arg1, %mul3A_21 : i32
      %mul3A_23 = arith.constant 632 : i32
      %mul3A_24 = arith.muli %arg1, %mul3A_23 : i32
      "tpu.region"() ({
        %run_scoped3A = tpu.sem_alloc : memref<!tpu.dma_semaphore, #tpu.memory_space<semaphore_mem>>
        %dma_start3A = arith.constant 0 : i32
        %dma_start3A_25 = tpu.memref_slice %arg7[%mul3A_24, %dma_start3A] : memref<10112x128xf32, #tpu.memory_space<hbm>> -> memref<632x128xf32, #tpu.memory_space<hbm>>
        %dma_start3A_26 = arith.constant 0 : i32
        %dma_start3A_27 = tpu.memref_slice %arg8[%mul3A_22, %dma_start3A_26] : memref<10112x128xf32, #tpu.memory_space<vmem_shared>> -> memref<632x128xf32, #tpu.memory_space<vmem_shared>>
        tpu.enqueue_dma source(%dma_start3A_27 : memref<632x128xf32, #tpu.memory_space<vmem_shared>>) target(%dma_start3A_25 : memref<632x128xf32, #tpu.memory_space<hbm>>) target_semaphore(%run_scoped3A : memref<!tpu.dma_semaphore, #tpu.memory_space<semaphore_mem>>)
        %dma_wait3A = arith.constant 0 : i32
        %dma_wait3A_28 = tpu.memref_slice %arg7[%mul3A_24, %dma_wait3A] : memref<10112x128xf32, #tpu.memory_space<hbm>> -> memref<632x128xf32, #tpu.memory_space<hbm>>
        %dma_wait3A_29 = arith.constant 0 : i32
        %dma_wait3A_30 = tpu.memref_slice %arg8[%mul3A_22, %dma_wait3A_29] : memref<10112x128xf32, #tpu.memory_space<vmem_shared>> -> memref<632x128xf32, #tpu.memory_space<vmem_shared>>
        tpu.wait_dma2 semaphore(%run_scoped3A : memref<!tpu.dma_semaphore, #tpu.memory_space<semaphore_mem>>) src(%dma_wait3A_30 : memref<632x128xf32, #tpu.memory_space<vmem_shared>>) dst(%dma_wait3A_28 : memref<632x128xf32, #tpu.memory_space<hbm>>)
        tpu.yield
      }) : () -> ()
    } else {
    }
    return
  }
}

#map = affine_map<(d0, d1) -> (0, 0)>
#map1 = affine_map<(d0, d1) -> (0)>
module attributes {stable_mosaic.version = 14 : i64} {
  func.func @k(%arg0: i32, %arg1: i32, %arg2: memref<10000x128xf32, #tpu.memory_space<hbm>>, %arg3: memref<10112x128xf32, #tpu.memory_space<hbm>>, %arg4: memref<323584xi32, #tpu.memory_space<hbm>>, %arg5: memref<323584xi32, #tpu.memory_space<hbm>>, %arg6: memref<10112x128xf32, #tpu.memory_space<hbm>>, %arg7: memref<10112x128xf32, #tpu.memory_space<hbm>>, %arg8: memref<10112x128xf32, #tpu.memory_space<vmem_shared>>, %arg9: memref<1x64xi32, #tpu.memory_space<vmem>>, %arg10: memref<1x64xi32, #tpu.memory_space<vmem>>, %arg11: memref<1x64xi32, #tpu.memory_space<vmem>>, %arg12: memref<1x64xi32, #tpu.memory_space<vmem>>, %arg13: memref<64x128xf32, #tpu.memory_space<vmem>>, %arg14: memref<64x128xf32, #tpu.memory_space<vmem>>, %arg15: memref<!tpu.dma_semaphore, #tpu.memory_space<semaphore_mem>>, %arg16: memref<!tpu.dma_semaphore, #tpu.memory_space<semaphore_mem>>, %arg17: memref<!tpu.dma_semaphore, #tpu.memory_space<semaphore_mem>>, %arg18: memref<!tpu.dma_semaphore, #tpu.memory_space<semaphore_mem>>) attributes {dimension_semantics = [#tpu.dimension_semantics<core_parallel>, #tpu.dimension_semantics<subcore_parallel>], iteration_bounds = array<i64: 2, 16>, scalar_prefetch = 0 : i64, scratch_operands = 11 : i64, tpu.core_type = #tpu.core_type<sc_vector_subcore>, window_params = [{transform_indices = #map}, {transform_indices = #map}, {transform_indices = #map1}, {transform_indices = #map1}, {transform_indices = #map}, {transform_indices = #map}]} {
    %mul3A = arith.constant 16 : i32
    %mul3A_0 = arith.muli %arg0, %mul3A : i32
    %add3A = arith.addi %mul3A_0, %arg1 : i32
    %mul3A_1 = arith.constant 158 : i32
    %mul3A_2 = arith.muli %add3A, %mul3A_1 : i32
    %mul3A_3 = arith.constant 64 : i32
    %mul3A_4 = arith.muli %mul3A_2, %mul3A_3 : i32
    %mul3A_5 = arith.constant 632 : i32
    %mul3A_6 = arith.muli %arg1, %mul3A_5 : i32
    %mul3A_7 = arith.constant 632 : i32
    %mul3A_8 = arith.muli %arg1, %mul3A_7 : i32
    "tpu.region"() ({
      %run_scoped3A = tpu.sem_alloc : memref<!tpu.dma_semaphore, #tpu.memory_space<semaphore_mem>>
      %dma_start3A = arith.constant 0 : i32
      %dma_start3A_21 = tpu.memref_slice %arg8[%mul3A_8, %dma_start3A] : memref<10112x128xf32, #tpu.memory_space<vmem_shared>> -> memref<632x128xf32, #tpu.memory_space<vmem_shared>>
      %dma_start3A_22 = arith.constant 0 : i32
      %dma_start3A_23 = tpu.memref_slice %arg3[%mul3A_6, %dma_start3A_22] : memref<10112x128xf32, #tpu.memory_space<hbm>> -> memref<632x128xf32, #tpu.memory_space<hbm>>
      tpu.enqueue_dma source(%dma_start3A_23 : memref<632x128xf32, #tpu.memory_space<hbm>>) target(%dma_start3A_21 : memref<632x128xf32, #tpu.memory_space<vmem_shared>>) target_semaphore(%run_scoped3A : memref<!tpu.dma_semaphore, #tpu.memory_space<semaphore_mem>>)
      %dma_wait3A = arith.constant 0 : i32
      %dma_wait3A_24 = tpu.memref_slice %arg8[%mul3A_8, %dma_wait3A] : memref<10112x128xf32, #tpu.memory_space<vmem_shared>> -> memref<632x128xf32, #tpu.memory_space<vmem_shared>>
      %dma_wait3A_25 = arith.constant 0 : i32
      %dma_wait3A_26 = tpu.memref_slice %arg3[%mul3A_6, %dma_wait3A_25] : memref<10112x128xf32, #tpu.memory_space<hbm>> -> memref<632x128xf32, #tpu.memory_space<hbm>>
      tpu.wait_dma2 semaphore(%run_scoped3A : memref<!tpu.dma_semaphore, #tpu.memory_space<semaphore_mem>>) src(%dma_wait3A_26 : memref<632x128xf32, #tpu.memory_space<hbm>>) dst(%dma_wait3A_24 : memref<632x128xf32, #tpu.memory_space<vmem_shared>>)
      tpu.yield
    }) : () -> ()
    %barrier3A = arith.constant 0 : index
    tpu.barrier barrier_id(%barrier3A)
    %scan3A = arith.constant 0 : i32
    %scan3A_9 = arith.constant 79 : i32
    %scan3A_10 = arith.addi %scan3A, %scan3A_9 : i32
    %scan3A_11 = arith.constant 1 : i32
    scf.for %scan3A_21 = %scan3A to %scan3A_10 step %scan3A_11  : i32 {
      %mul3A_22 = arith.constant 2 : i32
      %mul3A_23 = arith.muli %scan3A_21, %mul3A_22 : i32
      %add3A_24 = arith.constant 0 : i32
      %add3A_25 = arith.addi %add3A_24, %mul3A_23 : i32
      %mul3A_26 = arith.constant 64 : i32
      %mul3A_27 = arith.muli %add3A_25, %mul3A_26 : i32
      %add3A_28 = arith.addi %mul3A_4, %mul3A_27 : i32
      %multiple_of3A = tpu.assume_multiple %add3A_28, 8 : i32
      %add3A_29 = arith.constant 1 : i32
      %add3A_30 = arith.addi %add3A_25, %add3A_29 : i32
      %mul3A_31 = arith.constant 64 : i32
      %mul3A_32 = arith.muli %add3A_30, %mul3A_31 : i32
      %add3A_33 = arith.addi %mul3A_4, %mul3A_32 : i32
      %multiple_of3A_34 = tpu.assume_multiple %add3A_33, 8 : i32
      %dma_start3A = arith.constant 0 : i32
      %dma_start3A_35 = arith.constant 0 : i32
      %dma_start3A_36 = tpu.memref_slice %arg9[%dma_start3A, %dma_start3A_35] : memref<1x64xi32, #tpu.memory_space<vmem>> -> memref<1x64xi32, #tpu.memory_space<vmem>>
      %dma_start3A_37 = tpu.memref_squeeze %dma_start3A_36 : memref<1x64xi32, #tpu.memory_space<vmem>> -> memref<64xi32, #tpu.memory_space<vmem>>
      %dma_start3A_38 = tpu.memref_slice %arg4[%multiple_of3A] : memref<323584xi32, #tpu.memory_space<hbm>> -> memref<64xi32, #tpu.memory_space<hbm>>
      %dma_start3A_39 = arith.constant 0 : i32
      %dma_start3A_40 = tpu.memref_slice %arg9[%dma_start3A, %dma_start3A_39] : memref<1x64xi32, #tpu.memory_space<vmem>> -> memref<1x64xi32, #tpu.memory_space<vmem>>
      %dma_start3A_41 = tpu.memref_squeeze %dma_start3A_40 : memref<1x64xi32, #tpu.memory_space<vmem>> -> memref<64xi32, #tpu.memory_space<vmem>>
      %dma_start3A_42 = tpu.memref_slice %arg4[%multiple_of3A] : memref<323584xi32, #tpu.memory_space<hbm>> -> memref<64xi32, #tpu.memory_space<hbm>>
      tpu.enqueue_dma source(%dma_start3A_42 : memref<64xi32, #tpu.memory_space<hbm>>) target(%dma_start3A_41 : memref<64xi32, #tpu.memory_space<vmem>>) target_semaphore(%arg15 : memref<!tpu.dma_semaphore, #tpu.memory_space<semaphore_mem>>)
      %dma_start3A_43 = arith.constant 0 : i32
      %dma_start3A_44 = arith.constant 0 : i32
      %dma_start3A_45 = tpu.memref_slice %arg10[%dma_start3A_43, %dma_start3A_44] : memref<1x64xi32, #tpu.memory_space<vmem>> -> memref<1x64xi32, #tpu.memory_space<vmem>>
      %dma_start3A_46 = tpu.memref_squeeze %dma_start3A_45 : memref<1x64xi32, #tpu.memory_space<vmem>> -> memref<64xi32, #tpu.memory_space<vmem>>
      %dma_start3A_47 = tpu.memref_slice %arg5[%multiple_of3A] : memref<323584xi32, #tpu.memory_space<hbm>> -> memref<64xi32, #tpu.memory_space<hbm>>
      %dma_start3A_48 = arith.constant 0 : i32
      %dma_start3A_49 = tpu.memref_slice %arg10[%dma_start3A_43, %dma_start3A_48] : memref<1x64xi32, #tpu.memory_space<vmem>> -> memref<1x64xi32, #tpu.memory_space<vmem>>
      %dma_start3A_50 = tpu.memref_squeeze %dma_start3A_49 : memref<1x64xi32, #tpu.memory_space<vmem>> -> memref<64xi32, #tpu.memory_space<vmem>>
      %dma_start3A_51 = tpu.memref_slice %arg5[%multiple_of3A] : memref<323584xi32, #tpu.memory_space<hbm>> -> memref<64xi32, #tpu.memory_space<hbm>>
      tpu.enqueue_dma source(%dma_start3A_51 : memref<64xi32, #tpu.memory_space<hbm>>) target(%dma_start3A_50 : memref<64xi32, #tpu.memory_space<vmem>>) target_semaphore(%arg15 : memref<!tpu.dma_semaphore, #tpu.memory_space<semaphore_mem>>)
      %dma_start3A_52 = arith.constant 0 : i32
      %dma_start3A_53 = arith.constant 0 : i32
      %dma_start3A_54 = tpu.memref_slice %arg11[%dma_start3A_52, %dma_start3A_53] : memref<1x64xi32, #tpu.memory_space<vmem>> -> memref<1x64xi32, #tpu.memory_space<vmem>>
      %dma_start3A_55 = tpu.memref_squeeze %dma_start3A_54 : memref<1x64xi32, #tpu.memory_space<vmem>> -> memref<64xi32, #tpu.memory_space<vmem>>
      %dma_start3A_56 = tpu.memref_slice %arg4[%multiple_of3A_34] : memref<323584xi32, #tpu.memory_space<hbm>> -> memref<64xi32, #tpu.memory_space<hbm>>
      %dma_start3A_57 = arith.constant 0 : i32
      %dma_start3A_58 = tpu.memref_slice %arg11[%dma_start3A_52, %dma_start3A_57] : memref<1x64xi32, #tpu.memory_space<vmem>> -> memref<1x64xi32, #tpu.memory_space<vmem>>
      %dma_start3A_59 = tpu.memref_squeeze %dma_start3A_58 : memref<1x64xi32, #tpu.memory_space<vmem>> -> memref<64xi32, #tpu.memory_space<vmem>>
      %dma_start3A_60 = tpu.memref_slice %arg4[%multiple_of3A_34] : memref<323584xi32, #tpu.memory_space<hbm>> -> memref<64xi32, #tpu.memory_space<hbm>>
      tpu.enqueue_dma source(%dma_start3A_60 : memref<64xi32, #tpu.memory_space<hbm>>) target(%dma_start3A_59 : memref<64xi32, #tpu.memory_space<vmem>>) target_semaphore(%arg16 : memref<!tpu.dma_semaphore, #tpu.memory_space<semaphore_mem>>)
      %dma_start3A_61 = arith.constant 0 : i32
      %dma_start3A_62 = arith.constant 0 : i32
      %dma_start3A_63 = tpu.memref_slice %arg12[%dma_start3A_61, %dma_start3A_62] : memref<1x64xi32, #tpu.memory_space<vmem>> -> memref<1x64xi32, #tpu.memory_space<vmem>>
      %dma_start3A_64 = tpu.memref_squeeze %dma_start3A_63 : memref<1x64xi32, #tpu.memory_space<vmem>> -> memref<64xi32, #tpu.memory_space<vmem>>
      %dma_start3A_65 = tpu.memref_slice %arg5[%multiple_of3A_34] : memref<323584xi32, #tpu.memory_space<hbm>> -> memref<64xi32, #tpu.memory_space<hbm>>
      %dma_start3A_66 = arith.constant 0 : i32
      %dma_start3A_67 = tpu.memref_slice %arg12[%dma_start3A_61, %dma_start3A_66] : memref<1x64xi32, #tpu.memory_space<vmem>> -> memref<1x64xi32, #tpu.memory_space<vmem>>
      %dma_start3A_68 = tpu.memref_squeeze %dma_start3A_67 : memref<1x64xi32, #tpu.memory_space<vmem>> -> memref<64xi32, #tpu.memory_space<vmem>>
      %dma_start3A_69 = tpu.memref_slice %arg5[%multiple_of3A_34] : memref<323584xi32, #tpu.memory_space<hbm>> -> memref<64xi32, #tpu.memory_space<hbm>>
      tpu.enqueue_dma source(%dma_start3A_69 : memref<64xi32, #tpu.memory_space<hbm>>) target(%dma_start3A_68 : memref<64xi32, #tpu.memory_space<vmem>>) target_semaphore(%arg16 : memref<!tpu.dma_semaphore, #tpu.memory_space<semaphore_mem>>)
      %dma_wait3A = arith.constant 0 : i32
      %dma_wait3A_70 = arith.constant 0 : i32
      %dma_wait3A_71 = tpu.memref_slice %arg9[%dma_wait3A, %dma_wait3A_70] : memref<1x64xi32, #tpu.memory_space<vmem>> -> memref<1x64xi32, #tpu.memory_space<vmem>>
      %dma_wait3A_72 = tpu.memref_squeeze %dma_wait3A_71 : memref<1x64xi32, #tpu.memory_space<vmem>> -> memref<64xi32, #tpu.memory_space<vmem>>
      %dma_wait3A_73 = tpu.memref_slice %arg4[%multiple_of3A] : memref<323584xi32, #tpu.memory_space<hbm>> -> memref<64xi32, #tpu.memory_space<hbm>>
      %dma_wait3A_74 = arith.constant 0 : i32
      %dma_wait3A_75 = tpu.memref_slice %arg9[%dma_wait3A, %dma_wait3A_74] : memref<1x64xi32, #tpu.memory_space<vmem>> -> memref<1x64xi32, #tpu.memory_space<vmem>>
      %dma_wait3A_76 = tpu.memref_squeeze %dma_wait3A_75 : memref<1x64xi32, #tpu.memory_space<vmem>> -> memref<64xi32, #tpu.memory_space<vmem>>
      %dma_wait3A_77 = tpu.memref_slice %arg4[%multiple_of3A] : memref<323584xi32, #tpu.memory_space<hbm>> -> memref<64xi32, #tpu.memory_space<hbm>>
      tpu.wait_dma2 semaphore(%arg15 : memref<!tpu.dma_semaphore, #tpu.memory_space<semaphore_mem>>) src(%dma_wait3A_77 : memref<64xi32, #tpu.memory_space<hbm>>) dst(%dma_wait3A_76 : memref<64xi32, #tpu.memory_space<vmem>>)
      %dma_wait3A_78 = arith.constant 0 : i32
      %dma_wait3A_79 = arith.constant 0 : i32
      %dma_wait3A_80 = tpu.memref_slice %arg10[%dma_wait3A_78, %dma_wait3A_79] : memref<1x64xi32, #tpu.memory_space<vmem>> -> memref<1x64xi32, #tpu.memory_space<vmem>>
      %dma_wait3A_81 = tpu.memref_squeeze %dma_wait3A_80 : memref<1x64xi32, #tpu.memory_space<vmem>> -> memref<64xi32, #tpu.memory_space<vmem>>
      %dma_wait3A_82 = tpu.memref_slice %arg5[%multiple_of3A] : memref<323584xi32, #tpu.memory_space<hbm>> -> memref<64xi32, #tpu.memory_space<hbm>>
      %dma_wait3A_83 = arith.constant 0 : i32
      %dma_wait3A_84 = tpu.memref_slice %arg10[%dma_wait3A_78, %dma_wait3A_83] : memref<1x64xi32, #tpu.memory_space<vmem>> -> memref<1x64xi32, #tpu.memory_space<vmem>>
      %dma_wait3A_85 = tpu.memref_squeeze %dma_wait3A_84 : memref<1x64xi32, #tpu.memory_space<vmem>> -> memref<64xi32, #tpu.memory_space<vmem>>
      %dma_wait3A_86 = tpu.memref_slice %arg5[%multiple_of3A] : memref<323584xi32, #tpu.memory_space<hbm>> -> memref<64xi32, #tpu.memory_space<hbm>>
      tpu.wait_dma2 semaphore(%arg15 : memref<!tpu.dma_semaphore, #tpu.memory_space<semaphore_mem>>) src(%dma_wait3A_86 : memref<64xi32, #tpu.memory_space<hbm>>) dst(%dma_wait3A_85 : memref<64xi32, #tpu.memory_space<vmem>>)
      %dma_start3A_87 = arith.constant 0 : i32
      %dma_start3A_88 = arith.constant 0 : i32
      %dma_start3A_89 = tpu.memref_slice %arg9[%dma_start3A_87, %dma_start3A_88] : memref<1x64xi32, #tpu.memory_space<vmem>> -> memref<1x64xi32, #tpu.memory_space<vmem>>
      %dma_start3A_90 = tpu.memref_squeeze %dma_start3A_89 : memref<1x64xi32, #tpu.memory_space<vmem>> -> memref<64xi32, #tpu.memory_space<vmem>>
      %dma_start3A_91 = arith.constant 0 : i32
      %dma_start3A_92 = arith.constant 0 : i32
      %dma_start3A_93 = tpu.memref_slice %arg2[%dma_start3A_91, %dma_start3A_92] : memref<10000x128xf32, #tpu.memory_space<hbm>> -> memref<10000x128xf32, #tpu.memory_space<hbm>>
      tpu.enqueue_indirect_dma source(%dma_start3A_93 : memref<10000x128xf32, #tpu.memory_space<hbm>>) target(%arg13 : memref<64x128xf32, #tpu.memory_space<vmem>>) offsets(%dma_start3A_90 : memref<64xi32, #tpu.memory_space<vmem>>) semaphore(%arg17 : memref<!tpu.dma_semaphore, #tpu.memory_space<semaphore_mem>>)
      %dma_wait3A_94 = arith.constant 0 : i32
      %dma_wait3A_95 = arith.constant 0 : i32
      %dma_wait3A_96 = tpu.memref_slice %arg11[%dma_wait3A_94, %dma_wait3A_95] : memref<1x64xi32, #tpu.memory_space<vmem>> -> memref<1x64xi32, #tpu.memory_space<vmem>>
      %dma_wait3A_97 = tpu.memref_squeeze %dma_wait3A_96 : memref<1x64xi32, #tpu.memory_space<vmem>> -> memref<64xi32, #tpu.memory_space<vmem>>
      %dma_wait3A_98 = tpu.memref_slice %arg4[%multiple_of3A_34] : memref<323584xi32, #tpu.memory_space<hbm>> -> memref<64xi32, #tpu.memory_space<hbm>>
      %dma_wait3A_99 = arith.constant 0 : i32
      %dma_wait3A_100 = tpu.memref_slice %arg11[%dma_wait3A_94, %dma_wait3A_99] : memref<1x64xi32, #tpu.memory_space<vmem>> -> memref<1x64xi32, #tpu.memory_space<vmem>>
      %dma_wait3A_101 = tpu.memref_squeeze %dma_wait3A_100 : memref<1x64xi32, #tpu.memory_space<vmem>> -> memref<64xi32, #tpu.memory_space<vmem>>
      %dma_wait3A_102 = tpu.memref_slice %arg4[%multiple_of3A_34] : memref<323584xi32, #tpu.memory_space<hbm>> -> memref<64xi32, #tpu.memory_space<hbm>>
      tpu.wait_dma2 semaphore(%arg16 : memref<!tpu.dma_semaphore, #tpu.memory_space<semaphore_mem>>) src(%dma_wait3A_102 : memref<64xi32, #tpu.memory_space<hbm>>) dst(%dma_wait3A_101 : memref<64xi32, #tpu.memory_space<vmem>>)
      %dma_wait3A_103 = arith.constant 0 : i32
      %dma_wait3A_104 = arith.constant 0 : i32
      %dma_wait3A_105 = tpu.memref_slice %arg12[%dma_wait3A_103, %dma_wait3A_104] : memref<1x64xi32, #tpu.memory_space<vmem>> -> memref<1x64xi32, #tpu.memory_space<vmem>>
      %dma_wait3A_106 = tpu.memref_squeeze %dma_wait3A_105 : memref<1x64xi32, #tpu.memory_space<vmem>> -> memref<64xi32, #tpu.memory_space<vmem>>
      %dma_wait3A_107 = tpu.memref_slice %arg5[%multiple_of3A_34] : memref<323584xi32, #tpu.memory_space<hbm>> -> memref<64xi32, #tpu.memory_space<hbm>>
      %dma_wait3A_108 = arith.constant 0 : i32
      %dma_wait3A_109 = tpu.memref_slice %arg12[%dma_wait3A_103, %dma_wait3A_108] : memref<1x64xi32, #tpu.memory_space<vmem>> -> memref<1x64xi32, #tpu.memory_space<vmem>>
      %dma_wait3A_110 = tpu.memref_squeeze %dma_wait3A_109 : memref<1x64xi32, #tpu.memory_space<vmem>> -> memref<64xi32, #tpu.memory_space<vmem>>
      %dma_wait3A_111 = tpu.memref_slice %arg5[%multiple_of3A_34] : memref<323584xi32, #tpu.memory_space<hbm>> -> memref<64xi32, #tpu.memory_space<hbm>>
      tpu.wait_dma2 semaphore(%arg16 : memref<!tpu.dma_semaphore, #tpu.memory_space<semaphore_mem>>) src(%dma_wait3A_111 : memref<64xi32, #tpu.memory_space<hbm>>) dst(%dma_wait3A_110 : memref<64xi32, #tpu.memory_space<vmem>>)
      %dma_start3A_112 = arith.constant 0 : i32
      %dma_start3A_113 = arith.constant 0 : i32
      %dma_start3A_114 = tpu.memref_slice %arg11[%dma_start3A_112, %dma_start3A_113] : memref<1x64xi32, #tpu.memory_space<vmem>> -> memref<1x64xi32, #tpu.memory_space<vmem>>
      %dma_start3A_115 = tpu.memref_squeeze %dma_start3A_114 : memref<1x64xi32, #tpu.memory_space<vmem>> -> memref<64xi32, #tpu.memory_space<vmem>>
      %dma_start3A_116 = arith.constant 0 : i32
      %dma_start3A_117 = arith.constant 0 : i32
      %dma_start3A_118 = tpu.memref_slice %arg2[%dma_start3A_116, %dma_start3A_117] : memref<10000x128xf32, #tpu.memory_space<hbm>> -> memref<10000x128xf32, #tpu.memory_space<hbm>>
      tpu.enqueue_indirect_dma source(%dma_start3A_118 : memref<10000x128xf32, #tpu.memory_space<hbm>>) target(%arg14 : memref<64x128xf32, #tpu.memory_space<vmem>>) offsets(%dma_start3A_115 : memref<64xi32, #tpu.memory_space<vmem>>) semaphore(%arg18 : memref<!tpu.dma_semaphore, #tpu.memory_space<semaphore_mem>>)
      %dma_wait3A_119 = arith.constant 0 : i32
      %dma_wait3A_120 = arith.constant 0 : i32
      %dma_wait3A_121 = tpu.memref_slice %arg9[%dma_wait3A_119, %dma_wait3A_120] : memref<1x64xi32, #tpu.memory_space<vmem>> -> memref<1x64xi32, #tpu.memory_space<vmem>>
      %dma_wait3A_122 = tpu.memref_squeeze %dma_wait3A_121 : memref<1x64xi32, #tpu.memory_space<vmem>> -> memref<64xi32, #tpu.memory_space<vmem>>
      %dma_wait3A_123 = arith.constant 0 : i32
      %dma_wait3A_124 = arith.constant 0 : i32
      %dma_wait3A_125 = tpu.memref_slice %arg2[%dma_wait3A_123, %dma_wait3A_124] : memref<10000x128xf32, #tpu.memory_space<hbm>> -> memref<10000x128xf32, #tpu.memory_space<hbm>>
      tpu.wait_indirect_dma semaphore(%arg17 : memref<!tpu.dma_semaphore, #tpu.memory_space<semaphore_mem>>) src(%dma_wait3A_125 : memref<10000x128xf32, #tpu.memory_space<hbm>>) dst(%arg13 : memref<64x128xf32, #tpu.memory_space<vmem>>)
      %run_scoped3A = arith.constant 0 : i32
      "tpu.region"() ({
        %run_scoped3A_134 = tpu.sem_alloc : memref<!tpu.dma_semaphore, #tpu.memory_space<semaphore_mem>>
        %dma_start3A_135 = arith.constant 0 : i32
        %dma_start3A_136 = tpu.memref_slice %arg10[%run_scoped3A, %dma_start3A_135] : memref<1x64xi32, #tpu.memory_space<vmem>> -> memref<1x64xi32, #tpu.memory_space<vmem>>
        %dma_start3A_137 = tpu.memref_squeeze %dma_start3A_136 : memref<1x64xi32, #tpu.memory_space<vmem>> -> memref<64xi32, #tpu.memory_space<vmem>>
        %dma_start3A_138 = arith.constant 0 : i32
        %dma_start3A_139 = arith.constant 0 : i32
        %dma_start3A_140 = tpu.memref_slice %arg8[%dma_start3A_138, %dma_start3A_139] : memref<10112x128xf32, #tpu.memory_space<vmem_shared>> -> memref<10112x128xf32, #tpu.memory_space<vmem_shared>>
        tpu.enqueue_indirect_dma source(%arg13 : memref<64x128xf32, #tpu.memory_space<vmem>>) target(%dma_start3A_140 : memref<10112x128xf32, #tpu.memory_space<vmem_shared>>) offsets(%dma_start3A_137 : memref<64xi32, #tpu.memory_space<vmem>>) semaphore(%run_scoped3A_134 : memref<!tpu.dma_semaphore, #tpu.memory_space<semaphore_mem>>) {add = true}
        %dma_wait3A_141 = arith.constant 0 : i32
        %dma_wait3A_142 = tpu.memref_slice %arg10[%run_scoped3A, %dma_wait3A_141] : memref<1x64xi32, #tpu.memory_space<vmem>> -> memref<1x64xi32, #tpu.memory_space<vmem>>
        %dma_wait3A_143 = tpu.memref_squeeze %dma_wait3A_142 : memref<1x64xi32, #tpu.memory_space<vmem>> -> memref<64xi32, #tpu.memory_space<vmem>>
        %dma_wait3A_144 = arith.constant 0 : i32
        %dma_wait3A_145 = arith.constant 0 : i32
        %dma_wait3A_146 = tpu.memref_slice %arg8[%dma_wait3A_144, %dma_wait3A_145] : memref<10112x128xf32, #tpu.memory_space<vmem_shared>> -> memref<10112x128xf32, #tpu.memory_space<vmem_shared>>
        tpu.wait_indirect_dma semaphore(%run_scoped3A_134 : memref<!tpu.dma_semaphore, #tpu.memory_space<semaphore_mem>>) src(%arg13 : memref<64x128xf32, #tpu.memory_space<vmem>>) dst(%dma_wait3A_146 : memref<10112x128xf32, #tpu.memory_space<vmem_shared>>)
        tpu.yield
      }) : () -> ()
      %dma_wait3A_126 = arith.constant 0 : i32
      %dma_wait3A_127 = arith.constant 0 : i32
      %dma_wait3A_128 = tpu.memref_slice %arg11[%dma_wait3A_126, %dma_wait3A_127] : memref<1x64xi32, #tpu.memory_space<vmem>> -> memref<1x64xi32, #tpu.memory_space<vmem>>
      %dma_wait3A_129 = tpu.memref_squeeze %dma_wait3A_128 : memref<1x64xi32, #tpu.memory_space<vmem>> -> memref<64xi32, #tpu.memory_space<vmem>>
      %dma_wait3A_130 = arith.constant 0 : i32
      %dma_wait3A_131 = arith.constant 0 : i32
      %dma_wait3A_132 = tpu.memref_slice %arg2[%dma_wait3A_130, %dma_wait3A_131] : memref<10000x128xf32, #tpu.memory_space<hbm>> -> memref<10000x128xf32, #tpu.memory_space<hbm>>
      tpu.wait_indirect_dma semaphore(%arg18 : memref<!tpu.dma_semaphore, #tpu.memory_space<semaphore_mem>>) src(%dma_wait3A_132 : memref<10000x128xf32, #tpu.memory_space<hbm>>) dst(%arg14 : memref<64x128xf32, #tpu.memory_space<vmem>>)
      %run_scoped3A_133 = arith.constant 0 : i32
      "tpu.region"() ({
        %run_scoped3A_134 = tpu.sem_alloc : memref<!tpu.dma_semaphore, #tpu.memory_space<semaphore_mem>>
        %dma_start3A_135 = arith.constant 0 : i32
        %dma_start3A_136 = tpu.memref_slice %arg12[%run_scoped3A_133, %dma_start3A_135] : memref<1x64xi32, #tpu.memory_space<vmem>> -> memref<1x64xi32, #tpu.memory_space<vmem>>
        %dma_start3A_137 = tpu.memref_squeeze %dma_start3A_136 : memref<1x64xi32, #tpu.memory_space<vmem>> -> memref<64xi32, #tpu.memory_space<vmem>>
        %dma_start3A_138 = arith.constant 0 : i32
        %dma_start3A_139 = arith.constant 0 : i32
        %dma_start3A_140 = tpu.memref_slice %arg8[%dma_start3A_138, %dma_start3A_139] : memref<10112x128xf32, #tpu.memory_space<vmem_shared>> -> memref<10112x128xf32, #tpu.memory_space<vmem_shared>>
        tpu.enqueue_indirect_dma source(%arg14 : memref<64x128xf32, #tpu.memory_space<vmem>>) target(%dma_start3A_140 : memref<10112x128xf32, #tpu.memory_space<vmem_shared>>) offsets(%dma_start3A_137 : memref<64xi32, #tpu.memory_space<vmem>>) semaphore(%run_scoped3A_134 : memref<!tpu.dma_semaphore, #tpu.memory_space<semaphore_mem>>) {add = true}
        %dma_wait3A_141 = arith.constant 0 : i32
        %dma_wait3A_142 = tpu.memref_slice %arg12[%run_scoped3A_133, %dma_wait3A_141] : memref<1x64xi32, #tpu.memory_space<vmem>> -> memref<1x64xi32, #tpu.memory_space<vmem>>
        %dma_wait3A_143 = tpu.memref_squeeze %dma_wait3A_142 : memref<1x64xi32, #tpu.memory_space<vmem>> -> memref<64xi32, #tpu.memory_space<vmem>>
        %dma_wait3A_144 = arith.constant 0 : i32
        %dma_wait3A_145 = arith.constant 0 : i32
        %dma_wait3A_146 = tpu.memref_slice %arg8[%dma_wait3A_144, %dma_wait3A_145] : memref<10112x128xf32, #tpu.memory_space<vmem_shared>> -> memref<10112x128xf32, #tpu.memory_space<vmem_shared>>
        tpu.wait_indirect_dma semaphore(%run_scoped3A_134 : memref<!tpu.dma_semaphore, #tpu.memory_space<semaphore_mem>>) src(%arg14 : memref<64x128xf32, #tpu.memory_space<vmem>>) dst(%dma_wait3A_146 : memref<10112x128xf32, #tpu.memory_space<vmem_shared>>)
        tpu.yield
      }) : () -> ()
    }
    %scan3A_12 = arith.constant 79 : i32
    %barrier3A_13 = arith.constant 0 : index
    tpu.barrier barrier_id(%barrier3A_13)
    %eq3A = arith.constant 0 : i32
    %eq3A_14 = arith.cmpi eq, %arg0, %eq3A : i32
    %convert_element_type3A = arith.extui %eq3A_14 : i1 to i32
    %cond3A = arith.constant 0 : i32
    %cond3A_15 = arith.cmpi ne, %convert_element_type3A, %cond3A : i32
    scf.if %cond3A_15 {
      %mul3A_21 = arith.constant 632 : i32
      %mul3A_22 = arith.muli %arg1, %mul3A_21 : i32
      %mul3A_23 = arith.constant 632 : i32
      %mul3A_24 = arith.muli %arg1, %mul3A_23 : i32
      "tpu.region"() ({
        %run_scoped3A = tpu.sem_alloc : memref<!tpu.dma_semaphore, #tpu.memory_space<semaphore_mem>>
        %dma_start3A = arith.constant 0 : i32
        %dma_start3A_25 = tpu.memref_slice %arg6[%mul3A_24, %dma_start3A] : memref<10112x128xf32, #tpu.memory_space<hbm>> -> memref<632x128xf32, #tpu.memory_space<hbm>>
        %dma_start3A_26 = arith.constant 0 : i32
        %dma_start3A_27 = tpu.memref_slice %arg8[%mul3A_22, %dma_start3A_26] : memref<10112x128xf32, #tpu.memory_space<vmem_shared>> -> memref<632x128xf32, #tpu.memory_space<vmem_shared>>
        tpu.enqueue_dma source(%dma_start3A_27 : memref<632x128xf32, #tpu.memory_space<vmem_shared>>) target(%dma_start3A_25 : memref<632x128xf32, #tpu.memory_space<hbm>>) target_semaphore(%run_scoped3A : memref<!tpu.dma_semaphore, #tpu.memory_space<semaphore_mem>>)
        %dma_wait3A = arith.constant 0 : i32
        %dma_wait3A_28 = tpu.memref_slice %arg6[%mul3A_24, %dma_wait3A] : memref<10112x128xf32, #tpu.memory_space<hbm>> -> memref<632x128xf32, #tpu.memory_space<hbm>>
        %dma_wait3A_29 = arith.constant 0 : i32
        %dma_wait3A_30 = tpu.memref_slice %arg8[%mul3A_22, %dma_wait3A_29] : memref<10112x128xf32, #tpu.memory_space<vmem_shared>> -> memref<632x128xf32, #tpu.memory_space<vmem_shared>>
        tpu.wait_dma2 semaphore(%run_scoped3A : memref<!tpu.dma_semaphore, #tpu.memory_space<semaphore_mem>>) src(%dma_wait3A_30 : memref<632x128xf32, #tpu.memory_space<vmem_shared>>) dst(%dma_wait3A_28 : memref<632x128xf32, #tpu.memory_space<hbm>>)
        tpu.yield
      }) : () -> ()
    } else {
    }
    %eq3A_16 = arith.constant 1 : i32
    %eq3A_17 = arith.cmpi eq, %arg0, %eq3A_16 : i32
    %convert_element_type3A_18 = arith.extui %eq3A_17 : i1 to i32
    %cond3A_19 = arith.constant 0 : i32
    %cond3A_20 = arith.cmpi ne, %convert_element_type3A_18, %cond3A_19 : i32
    scf.if %cond3A_20 {
      %mul3A_21 = arith.constant 632 : i32
      %mul3A_22 = arith.muli %arg1, %mul3A_21 : i32
      %mul3A_23 = arith.constant 632 : i32
      %mul3A_24 = arith.muli %arg1, %mul3A_23 : i32
      "tpu.region"() ({
        %run_scoped3A = tpu.sem_alloc : memref<!tpu.dma_semaphore, #tpu.memory_space<semaphore_mem>>
        %dma_start3A = arith.constant 0 : i32
        %dma_start3A_25 = tpu.memref_slice %arg7[%mul3A_24, %dma_start3A] : memref<10112x128xf32, #tpu.memory_space<hbm>> -> memref<632x128xf32, #tpu.memory_space<hbm>>
        %dma_start3A_26 = arith.constant 0 : i32
        %dma_start3A_27 = tpu.memref_slice %arg8[%mul3A_22, %dma_start3A_26] : memref<10112x128xf32, #tpu.memory_space<vmem_shared>> -> memref<632x128xf32, #tpu.memory_space<vmem_shared>>
        tpu.enqueue_dma source(%dma_start3A_27 : memref<632x128xf32, #tpu.memory_space<vmem_shared>>) target(%dma_start3A_25 : memref<632x128xf32, #tpu.memory_space<hbm>>) target_semaphore(%run_scoped3A : memref<!tpu.dma_semaphore, #tpu.memory_space<semaphore_mem>>)
        %dma_wait3A = arith.constant 0 : i32
        %dma_wait3A_28 = tpu.memref_slice %arg7[%mul3A_24, %dma_wait3A] : memref<10112x128xf32, #tpu.memory_space<hbm>> -> memref<632x128xf32, #tpu.memory_space<hbm>>
        %dma_wait3A_29 = arith.constant 0 : i32
        %dma_wait3A_30 = tpu.memref_slice %arg8[%mul3A_22, %dma_wait3A_29] : memref<10112x128xf32, #tpu.memory_space<vmem_shared>> -> memref<632x128xf32, #tpu.memory_space<vmem_shared>>
        tpu.wait_dma2 semaphore(%run_scoped3A : memref<!tpu.dma_semaphore, #tpu.memory_space<semaphore_mem>>) src(%dma_wait3A_30 : memref<632x128xf32, #tpu.memory_space<vmem_shared>>) dst(%dma_wait3A_28 : memref<632x128xf32, #tpu.memory_space<hbm>>)
        tpu.yield
      }) : () -> ()
    } else {
    }
    return
  }
}

#map = affine_map<(d0, d1) -> (0, 0)>
#map1 = affine_map<(d0, d1) -> (0)>
module attributes {stable_mosaic.version = 14 : i64} {
  func.func @k(%arg0: i32, %arg1: i32, %arg2: memref<10000x128xf32, #tpu.memory_space<hbm>>, %arg3: memref<10112x128xf32, #tpu.memory_space<hbm>>, %arg4: memref<323584xi32, #tpu.memory_space<hbm>>, %arg5: memref<323584xi32, #tpu.memory_space<hbm>>, %arg6: memref<10112x128xf32, #tpu.memory_space<hbm>>, %arg7: memref<10112x128xf32, #tpu.memory_space<hbm>>, %arg8: memref<10112x128xf32, #tpu.memory_space<vmem_shared>>, %arg9: memref<1x64xi32, #tpu.memory_space<vmem>>, %arg10: memref<1x64xi32, #tpu.memory_space<vmem>>, %arg11: memref<1x64xi32, #tpu.memory_space<vmem>>, %arg12: memref<1x64xi32, #tpu.memory_space<vmem>>, %arg13: memref<64x128xf32, #tpu.memory_space<vmem>>, %arg14: memref<64x128xf32, #tpu.memory_space<vmem>>, %arg15: memref<!tpu.dma_semaphore, #tpu.memory_space<semaphore_mem>>, %arg16: memref<!tpu.dma_semaphore, #tpu.memory_space<semaphore_mem>>, %arg17: memref<!tpu.dma_semaphore, #tpu.memory_space<semaphore_mem>>, %arg18: memref<!tpu.dma_semaphore, #tpu.memory_space<semaphore_mem>>) attributes {dimension_semantics = [#tpu.dimension_semantics<core_parallel>, #tpu.dimension_semantics<subcore_parallel>], iteration_bounds = array<i64: 2, 16>, scalar_prefetch = 0 : i64, scratch_operands = 11 : i64, tpu.core_type = #tpu.core_type<sc_vector_subcore>, window_params = [{transform_indices = #map}, {transform_indices = #map}, {transform_indices = #map1}, {transform_indices = #map1}, {transform_indices = #map}, {transform_indices = #map}]} {
    %mul3A = arith.constant 16 : i32
    %mul3A_0 = arith.muli %arg0, %mul3A : i32
    %add3A = arith.addi %mul3A_0, %arg1 : i32
    %mul3A_1 = arith.constant 158 : i32
    %mul3A_2 = arith.muli %add3A, %mul3A_1 : i32
    %mul3A_3 = arith.constant 64 : i32
    %mul3A_4 = arith.muli %mul3A_2, %mul3A_3 : i32
    %mul3A_5 = arith.constant 632 : i32
    %mul3A_6 = arith.muli %arg1, %mul3A_5 : i32
    %mul3A_7 = arith.constant 632 : i32
    %mul3A_8 = arith.muli %arg1, %mul3A_7 : i32
    "tpu.region"() ({
      %run_scoped3A = tpu.sem_alloc : memref<!tpu.dma_semaphore, #tpu.memory_space<semaphore_mem>>
      %dma_start3A = arith.constant 0 : i32
      %dma_start3A_21 = tpu.memref_slice %arg8[%mul3A_8, %dma_start3A] : memref<10112x128xf32, #tpu.memory_space<vmem_shared>> -> memref<632x128xf32, #tpu.memory_space<vmem_shared>>
      %dma_start3A_22 = arith.constant 0 : i32
      %dma_start3A_23 = tpu.memref_slice %arg3[%mul3A_6, %dma_start3A_22] : memref<10112x128xf32, #tpu.memory_space<hbm>> -> memref<632x128xf32, #tpu.memory_space<hbm>>
      tpu.enqueue_dma source(%dma_start3A_23 : memref<632x128xf32, #tpu.memory_space<hbm>>) target(%dma_start3A_21 : memref<632x128xf32, #tpu.memory_space<vmem_shared>>) target_semaphore(%run_scoped3A : memref<!tpu.dma_semaphore, #tpu.memory_space<semaphore_mem>>)
      %dma_wait3A = arith.constant 0 : i32
      %dma_wait3A_24 = tpu.memref_slice %arg8[%mul3A_8, %dma_wait3A] : memref<10112x128xf32, #tpu.memory_space<vmem_shared>> -> memref<632x128xf32, #tpu.memory_space<vmem_shared>>
      %dma_wait3A_25 = arith.constant 0 : i32
      %dma_wait3A_26 = tpu.memref_slice %arg3[%mul3A_6, %dma_wait3A_25] : memref<10112x128xf32, #tpu.memory_space<hbm>> -> memref<632x128xf32, #tpu.memory_space<hbm>>
      tpu.wait_dma2 semaphore(%run_scoped3A : memref<!tpu.dma_semaphore, #tpu.memory_space<semaphore_mem>>) src(%dma_wait3A_26 : memref<632x128xf32, #tpu.memory_space<hbm>>) dst(%dma_wait3A_24 : memref<632x128xf32, #tpu.memory_space<vmem_shared>>)
      tpu.yield
    }) : () -> ()
    %barrier3A = arith.constant 0 : index
    tpu.barrier barrier_id(%barrier3A)
    %scan3A = arith.constant 0 : i32
    %scan3A_9 = arith.constant 79 : i32
    %scan3A_10 = arith.addi %scan3A, %scan3A_9 : i32
    %scan3A_11 = arith.constant 1 : i32
    scf.for %scan3A_21 = %scan3A to %scan3A_10 step %scan3A_11  : i32 {
      %mul3A_22 = arith.constant 2 : i32
      %mul3A_23 = arith.muli %scan3A_21, %mul3A_22 : i32
      %add3A_24 = arith.constant 0 : i32
      %add3A_25 = arith.addi %add3A_24, %mul3A_23 : i32
      %mul3A_26 = arith.constant 64 : i32
      %mul3A_27 = arith.muli %add3A_25, %mul3A_26 : i32
      %add3A_28 = arith.addi %mul3A_4, %mul3A_27 : i32
      %multiple_of3A = tpu.assume_multiple %add3A_28, 8 : i32
      %add3A_29 = arith.constant 1 : i32
      %add3A_30 = arith.addi %add3A_25, %add3A_29 : i32
      %mul3A_31 = arith.constant 64 : i32
      %mul3A_32 = arith.muli %add3A_30, %mul3A_31 : i32
      %add3A_33 = arith.addi %mul3A_4, %mul3A_32 : i32
      %multiple_of3A_34 = tpu.assume_multiple %add3A_33, 8 : i32
      %dma_start3A = arith.constant 0 : i32
      %dma_start3A_35 = arith.constant 0 : i32
      %dma_start3A_36 = tpu.memref_slice %arg9[%dma_start3A, %dma_start3A_35] : memref<1x64xi32, #tpu.memory_space<vmem>> -> memref<1x64xi32, #tpu.memory_space<vmem>>
      %dma_start3A_37 = tpu.memref_squeeze %dma_start3A_36 : memref<1x64xi32, #tpu.memory_space<vmem>> -> memref<64xi32, #tpu.memory_space<vmem>>
      %dma_start3A_38 = tpu.memref_slice %arg4[%multiple_of3A] : memref<323584xi32, #tpu.memory_space<hbm>> -> memref<64xi32, #tpu.memory_space<hbm>>
      %dma_start3A_39 = arith.constant 0 : i32
      %dma_start3A_40 = tpu.memref_slice %arg9[%dma_start3A, %dma_start3A_39] : memref<1x64xi32, #tpu.memory_space<vmem>> -> memref<1x64xi32, #tpu.memory_space<vmem>>
      %dma_start3A_41 = tpu.memref_squeeze %dma_start3A_40 : memref<1x64xi32, #tpu.memory_space<vmem>> -> memref<64xi32, #tpu.memory_space<vmem>>
      %dma_start3A_42 = tpu.memref_slice %arg4[%multiple_of3A] : memref<323584xi32, #tpu.memory_space<hbm>> -> memref<64xi32, #tpu.memory_space<hbm>>
      tpu.enqueue_dma source(%dma_start3A_42 : memref<64xi32, #tpu.memory_space<hbm>>) target(%dma_start3A_41 : memref<64xi32, #tpu.memory_space<vmem>>) target_semaphore(%arg15 : memref<!tpu.dma_semaphore, #tpu.memory_space<semaphore_mem>>)
      %dma_start3A_43 = arith.constant 0 : i32
      %dma_start3A_44 = arith.constant 0 : i32
      %dma_start3A_45 = tpu.memref_slice %arg10[%dma_start3A_43, %dma_start3A_44] : memref<1x64xi32, #tpu.memory_space<vmem>> -> memref<1x64xi32, #tpu.memory_space<vmem>>
      %dma_start3A_46 = tpu.memref_squeeze %dma_start3A_45 : memref<1x64xi32, #tpu.memory_space<vmem>> -> memref<64xi32, #tpu.memory_space<vmem>>
      %dma_start3A_47 = tpu.memref_slice %arg5[%multiple_of3A] : memref<323584xi32, #tpu.memory_space<hbm>> -> memref<64xi32, #tpu.memory_space<hbm>>
      %dma_start3A_48 = arith.constant 0 : i32
      %dma_start3A_49 = tpu.memref_slice %arg10[%dma_start3A_43, %dma_start3A_48] : memref<1x64xi32, #tpu.memory_space<vmem>> -> memref<1x64xi32, #tpu.memory_space<vmem>>
      %dma_start3A_50 = tpu.memref_squeeze %dma_start3A_49 : memref<1x64xi32, #tpu.memory_space<vmem>> -> memref<64xi32, #tpu.memory_space<vmem>>
      %dma_start3A_51 = tpu.memref_slice %arg5[%multiple_of3A] : memref<323584xi32, #tpu.memory_space<hbm>> -> memref<64xi32, #tpu.memory_space<hbm>>
      tpu.enqueue_dma source(%dma_start3A_51 : memref<64xi32, #tpu.memory_space<hbm>>) target(%dma_start3A_50 : memref<64xi32, #tpu.memory_space<vmem>>) target_semaphore(%arg15 : memref<!tpu.dma_semaphore, #tpu.memory_space<semaphore_mem>>)
      %dma_start3A_52 = arith.constant 0 : i32
      %dma_start3A_53 = arith.constant 0 : i32
      %dma_start3A_54 = tpu.memref_slice %arg11[%dma_start3A_52, %dma_start3A_53] : memref<1x64xi32, #tpu.memory_space<vmem>> -> memref<1x64xi32, #tpu.memory_space<vmem>>
      %dma_start3A_55 = tpu.memref_squeeze %dma_start3A_54 : memref<1x64xi32, #tpu.memory_space<vmem>> -> memref<64xi32, #tpu.memory_space<vmem>>
      %dma_start3A_56 = tpu.memref_slice %arg4[%multiple_of3A_34] : memref<323584xi32, #tpu.memory_space<hbm>> -> memref<64xi32, #tpu.memory_space<hbm>>
      %dma_start3A_57 = arith.constant 0 : i32
      %dma_start3A_58 = tpu.memref_slice %arg11[%dma_start3A_52, %dma_start3A_57] : memref<1x64xi32, #tpu.memory_space<vmem>> -> memref<1x64xi32, #tpu.memory_space<vmem>>
      %dma_start3A_59 = tpu.memref_squeeze %dma_start3A_58 : memref<1x64xi32, #tpu.memory_space<vmem>> -> memref<64xi32, #tpu.memory_space<vmem>>
      %dma_start3A_60 = tpu.memref_slice %arg4[%multiple_of3A_34] : memref<323584xi32, #tpu.memory_space<hbm>> -> memref<64xi32, #tpu.memory_space<hbm>>
      tpu.enqueue_dma source(%dma_start3A_60 : memref<64xi32, #tpu.memory_space<hbm>>) target(%dma_start3A_59 : memref<64xi32, #tpu.memory_space<vmem>>) target_semaphore(%arg16 : memref<!tpu.dma_semaphore, #tpu.memory_space<semaphore_mem>>)
      %dma_start3A_61 = arith.constant 0 : i32
      %dma_start3A_62 = arith.constant 0 : i32
      %dma_start3A_63 = tpu.memref_slice %arg12[%dma_start3A_61, %dma_start3A_62] : memref<1x64xi32, #tpu.memory_space<vmem>> -> memref<1x64xi32, #tpu.memory_space<vmem>>
      %dma_start3A_64 = tpu.memref_squeeze %dma_start3A_63 : memref<1x64xi32, #tpu.memory_space<vmem>> -> memref<64xi32, #tpu.memory_space<vmem>>
      %dma_start3A_65 = tpu.memref_slice %arg5[%multiple_of3A_34] : memref<323584xi32, #tpu.memory_space<hbm>> -> memref<64xi32, #tpu.memory_space<hbm>>
      %dma_start3A_66 = arith.constant 0 : i32
      %dma_start3A_67 = tpu.memref_slice %arg12[%dma_start3A_61, %dma_start3A_66] : memref<1x64xi32, #tpu.memory_space<vmem>> -> memref<1x64xi32, #tpu.memory_space<vmem>>
      %dma_start3A_68 = tpu.memref_squeeze %dma_start3A_67 : memref<1x64xi32, #tpu.memory_space<vmem>> -> memref<64xi32, #tpu.memory_space<vmem>>
      %dma_start3A_69 = tpu.memref_slice %arg5[%multiple_of3A_34] : memref<323584xi32, #tpu.memory_space<hbm>> -> memref<64xi32, #tpu.memory_space<hbm>>
      tpu.enqueue_dma source(%dma_start3A_69 : memref<64xi32, #tpu.memory_space<hbm>>) target(%dma_start3A_68 : memref<64xi32, #tpu.memory_space<vmem>>) target_semaphore(%arg16 : memref<!tpu.dma_semaphore, #tpu.memory_space<semaphore_mem>>)
      %dma_wait3A = arith.constant 0 : i32
      %dma_wait3A_70 = arith.constant 0 : i32
      %dma_wait3A_71 = tpu.memref_slice %arg9[%dma_wait3A, %dma_wait3A_70] : memref<1x64xi32, #tpu.memory_space<vmem>> -> memref<1x64xi32, #tpu.memory_space<vmem>>
      %dma_wait3A_72 = tpu.memref_squeeze %dma_wait3A_71 : memref<1x64xi32, #tpu.memory_space<vmem>> -> memref<64xi32, #tpu.memory_space<vmem>>
      %dma_wait3A_73 = tpu.memref_slice %arg4[%multiple_of3A] : memref<323584xi32, #tpu.memory_space<hbm>> -> memref<64xi32, #tpu.memory_space<hbm>>
      %dma_wait3A_74 = arith.constant 0 : i32
      %dma_wait3A_75 = tpu.memref_slice %arg9[%dma_wait3A, %dma_wait3A_74] : memref<1x64xi32, #tpu.memory_space<vmem>> -> memref<1x64xi32, #tpu.memory_space<vmem>>
      %dma_wait3A_76 = tpu.memref_squeeze %dma_wait3A_75 : memref<1x64xi32, #tpu.memory_space<vmem>> -> memref<64xi32, #tpu.memory_space<vmem>>
      %dma_wait3A_77 = tpu.memref_slice %arg4[%multiple_of3A] : memref<323584xi32, #tpu.memory_space<hbm>> -> memref<64xi32, #tpu.memory_space<hbm>>
      tpu.wait_dma2 semaphore(%arg15 : memref<!tpu.dma_semaphore, #tpu.memory_space<semaphore_mem>>) src(%dma_wait3A_77 : memref<64xi32, #tpu.memory_space<hbm>>) dst(%dma_wait3A_76 : memref<64xi32, #tpu.memory_space<vmem>>)
      %dma_wait3A_78 = arith.constant 0 : i32
      %dma_wait3A_79 = arith.constant 0 : i32
      %dma_wait3A_80 = tpu.memref_slice %arg10[%dma_wait3A_78, %dma_wait3A_79] : memref<1x64xi32, #tpu.memory_space<vmem>> -> memref<1x64xi32, #tpu.memory_space<vmem>>
      %dma_wait3A_81 = tpu.memref_squeeze %dma_wait3A_80 : memref<1x64xi32, #tpu.memory_space<vmem>> -> memref<64xi32, #tpu.memory_space<vmem>>
      %dma_wait3A_82 = tpu.memref_slice %arg5[%multiple_of3A] : memref<323584xi32, #tpu.memory_space<hbm>> -> memref<64xi32, #tpu.memory_space<hbm>>
      %dma_wait3A_83 = arith.constant 0 : i32
      %dma_wait3A_84 = tpu.memref_slice %arg10[%dma_wait3A_78, %dma_wait3A_83] : memref<1x64xi32, #tpu.memory_space<vmem>> -> memref<1x64xi32, #tpu.memory_space<vmem>>
      %dma_wait3A_85 = tpu.memref_squeeze %dma_wait3A_84 : memref<1x64xi32, #tpu.memory_space<vmem>> -> memref<64xi32, #tpu.memory_space<vmem>>
      %dma_wait3A_86 = tpu.memref_slice %arg5[%multiple_of3A] : memref<323584xi32, #tpu.memory_space<hbm>> -> memref<64xi32, #tpu.memory_space<hbm>>
      tpu.wait_dma2 semaphore(%arg15 : memref<!tpu.dma_semaphore, #tpu.memory_space<semaphore_mem>>) src(%dma_wait3A_86 : memref<64xi32, #tpu.memory_space<hbm>>) dst(%dma_wait3A_85 : memref<64xi32, #tpu.memory_space<vmem>>)
      %dma_start3A_87 = arith.constant 0 : i32
      %dma_start3A_88 = arith.constant 0 : i32
      %dma_start3A_89 = tpu.memref_slice %arg9[%dma_start3A_87, %dma_start3A_88] : memref<1x64xi32, #tpu.memory_space<vmem>> -> memref<1x64xi32, #tpu.memory_space<vmem>>
      %dma_start3A_90 = tpu.memref_squeeze %dma_start3A_89 : memref<1x64xi32, #tpu.memory_space<vmem>> -> memref<64xi32, #tpu.memory_space<vmem>>
      %dma_start3A_91 = arith.constant 0 : i32
      %dma_start3A_92 = arith.constant 0 : i32
      %dma_start3A_93 = tpu.memref_slice %arg2[%dma_start3A_91, %dma_start3A_92] : memref<10000x128xf32, #tpu.memory_space<hbm>> -> memref<10000x128xf32, #tpu.memory_space<hbm>>
      tpu.enqueue_indirect_dma source(%dma_start3A_93 : memref<10000x128xf32, #tpu.memory_space<hbm>>) target(%arg13 : memref<64x128xf32, #tpu.memory_space<vmem>>) offsets(%dma_start3A_90 : memref<64xi32, #tpu.memory_space<vmem>>) semaphore(%arg17 : memref<!tpu.dma_semaphore, #tpu.memory_space<semaphore_mem>>)
      %dma_wait3A_94 = arith.constant 0 : i32
      %dma_wait3A_95 = arith.constant 0 : i32
      %dma_wait3A_96 = tpu.memref_slice %arg11[%dma_wait3A_94, %dma_wait3A_95] : memref<1x64xi32, #tpu.memory_space<vmem>> -> memref<1x64xi32, #tpu.memory_space<vmem>>
      %dma_wait3A_97 = tpu.memref_squeeze %dma_wait3A_96 : memref<1x64xi32, #tpu.memory_space<vmem>> -> memref<64xi32, #tpu.memory_space<vmem>>
      %dma_wait3A_98 = tpu.memref_slice %arg4[%multiple_of3A_34] : memref<323584xi32, #tpu.memory_space<hbm>> -> memref<64xi32, #tpu.memory_space<hbm>>
      %dma_wait3A_99 = arith.constant 0 : i32
      %dma_wait3A_100 = tpu.memref_slice %arg11[%dma_wait3A_94, %dma_wait3A_99] : memref<1x64xi32, #tpu.memory_space<vmem>> -> memref<1x64xi32, #tpu.memory_space<vmem>>
      %dma_wait3A_101 = tpu.memref_squeeze %dma_wait3A_100 : memref<1x64xi32, #tpu.memory_space<vmem>> -> memref<64xi32, #tpu.memory_space<vmem>>
      %dma_wait3A_102 = tpu.memref_slice %arg4[%multiple_of3A_34] : memref<323584xi32, #tpu.memory_space<hbm>> -> memref<64xi32, #tpu.memory_space<hbm>>
      tpu.wait_dma2 semaphore(%arg16 : memref<!tpu.dma_semaphore, #tpu.memory_space<semaphore_mem>>) src(%dma_wait3A_102 : memref<64xi32, #tpu.memory_space<hbm>>) dst(%dma_wait3A_101 : memref<64xi32, #tpu.memory_space<vmem>>)
      %dma_wait3A_103 = arith.constant 0 : i32
      %dma_wait3A_104 = arith.constant 0 : i32
      %dma_wait3A_105 = tpu.memref_slice %arg12[%dma_wait3A_103, %dma_wait3A_104] : memref<1x64xi32, #tpu.memory_space<vmem>> -> memref<1x64xi32, #tpu.memory_space<vmem>>
      %dma_wait3A_106 = tpu.memref_squeeze %dma_wait3A_105 : memref<1x64xi32, #tpu.memory_space<vmem>> -> memref<64xi32, #tpu.memory_space<vmem>>
      %dma_wait3A_107 = tpu.memref_slice %arg5[%multiple_of3A_34] : memref<323584xi32, #tpu.memory_space<hbm>> -> memref<64xi32, #tpu.memory_space<hbm>>
      %dma_wait3A_108 = arith.constant 0 : i32
      %dma_wait3A_109 = tpu.memref_slice %arg12[%dma_wait3A_103, %dma_wait3A_108] : memref<1x64xi32, #tpu.memory_space<vmem>> -> memref<1x64xi32, #tpu.memory_space<vmem>>
      %dma_wait3A_110 = tpu.memref_squeeze %dma_wait3A_109 : memref<1x64xi32, #tpu.memory_space<vmem>> -> memref<64xi32, #tpu.memory_space<vmem>>
      %dma_wait3A_111 = tpu.memref_slice %arg5[%multiple_of3A_34] : memref<323584xi32, #tpu.memory_space<hbm>> -> memref<64xi32, #tpu.memory_space<hbm>>
      tpu.wait_dma2 semaphore(%arg16 : memref<!tpu.dma_semaphore, #tpu.memory_space<semaphore_mem>>) src(%dma_wait3A_111 : memref<64xi32, #tpu.memory_space<hbm>>) dst(%dma_wait3A_110 : memref<64xi32, #tpu.memory_space<vmem>>)
      %dma_start3A_112 = arith.constant 0 : i32
      %dma_start3A_113 = arith.constant 0 : i32
      %dma_start3A_114 = tpu.memref_slice %arg11[%dma_start3A_112, %dma_start3A_113] : memref<1x64xi32, #tpu.memory_space<vmem>> -> memref<1x64xi32, #tpu.memory_space<vmem>>
      %dma_start3A_115 = tpu.memref_squeeze %dma_start3A_114 : memref<1x64xi32, #tpu.memory_space<vmem>> -> memref<64xi32, #tpu.memory_space<vmem>>
      %dma_start3A_116 = arith.constant 0 : i32
      %dma_start3A_117 = arith.constant 0 : i32
      %dma_start3A_118 = tpu.memref_slice %arg2[%dma_start3A_116, %dma_start3A_117] : memref<10000x128xf32, #tpu.memory_space<hbm>> -> memref<10000x128xf32, #tpu.memory_space<hbm>>
      tpu.enqueue_indirect_dma source(%dma_start3A_118 : memref<10000x128xf32, #tpu.memory_space<hbm>>) target(%arg14 : memref<64x128xf32, #tpu.memory_space<vmem>>) offsets(%dma_start3A_115 : memref<64xi32, #tpu.memory_space<vmem>>) semaphore(%arg18 : memref<!tpu.dma_semaphore, #tpu.memory_space<semaphore_mem>>)
      %dma_wait3A_119 = arith.constant 0 : i32
      %dma_wait3A_120 = arith.constant 0 : i32
      %dma_wait3A_121 = tpu.memref_slice %arg9[%dma_wait3A_119, %dma_wait3A_120] : memref<1x64xi32, #tpu.memory_space<vmem>> -> memref<1x64xi32, #tpu.memory_space<vmem>>
      %dma_wait3A_122 = tpu.memref_squeeze %dma_wait3A_121 : memref<1x64xi32, #tpu.memory_space<vmem>> -> memref<64xi32, #tpu.memory_space<vmem>>
      %dma_wait3A_123 = arith.constant 0 : i32
      %dma_wait3A_124 = arith.constant 0 : i32
      %dma_wait3A_125 = tpu.memref_slice %arg2[%dma_wait3A_123, %dma_wait3A_124] : memref<10000x128xf32, #tpu.memory_space<hbm>> -> memref<10000x128xf32, #tpu.memory_space<hbm>>
      tpu.wait_indirect_dma semaphore(%arg17 : memref<!tpu.dma_semaphore, #tpu.memory_space<semaphore_mem>>) src(%dma_wait3A_125 : memref<10000x128xf32, #tpu.memory_space<hbm>>) dst(%arg13 : memref<64x128xf32, #tpu.memory_space<vmem>>)
      %run_scoped3A = arith.constant 0 : i32
      "tpu.region"() ({
        %run_scoped3A_134 = tpu.sem_alloc : memref<!tpu.dma_semaphore, #tpu.memory_space<semaphore_mem>>
        %dma_start3A_135 = arith.constant 0 : i32
        %dma_start3A_136 = tpu.memref_slice %arg10[%run_scoped3A, %dma_start3A_135] : memref<1x64xi32, #tpu.memory_space<vmem>> -> memref<1x64xi32, #tpu.memory_space<vmem>>
        %dma_start3A_137 = tpu.memref_squeeze %dma_start3A_136 : memref<1x64xi32, #tpu.memory_space<vmem>> -> memref<64xi32, #tpu.memory_space<vmem>>
        %dma_start3A_138 = arith.constant 0 : i32
        %dma_start3A_139 = arith.constant 0 : i32
        %dma_start3A_140 = tpu.memref_slice %arg8[%dma_start3A_138, %dma_start3A_139] : memref<10112x128xf32, #tpu.memory_space<vmem_shared>> -> memref<10112x128xf32, #tpu.memory_space<vmem_shared>>
        tpu.enqueue_indirect_dma source(%arg13 : memref<64x128xf32, #tpu.memory_space<vmem>>) target(%dma_start3A_140 : memref<10112x128xf32, #tpu.memory_space<vmem_shared>>) offsets(%dma_start3A_137 : memref<64xi32, #tpu.memory_space<vmem>>) semaphore(%run_scoped3A_134 : memref<!tpu.dma_semaphore, #tpu.memory_space<semaphore_mem>>) {add = true}
        %dma_wait3A_141 = arith.constant 0 : i32
        %dma_wait3A_142 = tpu.memref_slice %arg10[%run_scoped3A, %dma_wait3A_141] : memref<1x64xi32, #tpu.memory_space<vmem>> -> memref<1x64xi32, #tpu.memory_space<vmem>>
        %dma_wait3A_143 = tpu.memref_squeeze %dma_wait3A_142 : memref<1x64xi32, #tpu.memory_space<vmem>> -> memref<64xi32, #tpu.memory_space<vmem>>
        %dma_wait3A_144 = arith.constant 0 : i32
        %dma_wait3A_145 = arith.constant 0 : i32
        %dma_wait3A_146 = tpu.memref_slice %arg8[%dma_wait3A_144, %dma_wait3A_145] : memref<10112x128xf32, #tpu.memory_space<vmem_shared>> -> memref<10112x128xf32, #tpu.memory_space<vmem_shared>>
        tpu.wait_indirect_dma semaphore(%run_scoped3A_134 : memref<!tpu.dma_semaphore, #tpu.memory_space<semaphore_mem>>) src(%arg13 : memref<64x128xf32, #tpu.memory_space<vmem>>) dst(%dma_wait3A_146 : memref<10112x128xf32, #tpu.memory_space<vmem_shared>>)
        tpu.yield
      }) : () -> ()
      %dma_wait3A_126 = arith.constant 0 : i32
      %dma_wait3A_127 = arith.constant 0 : i32
      %dma_wait3A_128 = tpu.memref_slice %arg11[%dma_wait3A_126, %dma_wait3A_127] : memref<1x64xi32, #tpu.memory_space<vmem>> -> memref<1x64xi32, #tpu.memory_space<vmem>>
      %dma_wait3A_129 = tpu.memref_squeeze %dma_wait3A_128 : memref<1x64xi32, #tpu.memory_space<vmem>> -> memref<64xi32, #tpu.memory_space<vmem>>
      %dma_wait3A_130 = arith.constant 0 : i32
      %dma_wait3A_131 = arith.constant 0 : i32
      %dma_wait3A_132 = tpu.memref_slice %arg2[%dma_wait3A_130, %dma_wait3A_131] : memref<10000x128xf32, #tpu.memory_space<hbm>> -> memref<10000x128xf32, #tpu.memory_space<hbm>>
      tpu.wait_indirect_dma semaphore(%arg18 : memref<!tpu.dma_semaphore, #tpu.memory_space<semaphore_mem>>) src(%dma_wait3A_132 : memref<10000x128xf32, #tpu.memory_space<hbm>>) dst(%arg14 : memref<64x128xf32, #tpu.memory_space<vmem>>)
      %run_scoped3A_133 = arith.constant 0 : i32
      "tpu.region"() ({
        %run_scoped3A_134 = tpu.sem_alloc : memref<!tpu.dma_semaphore, #tpu.memory_space<semaphore_mem>>
        %dma_start3A_135 = arith.constant 0 : i32
        %dma_start3A_136 = tpu.memref_slice %arg12[%run_scoped3A_133, %dma_start3A_135] : memref<1x64xi32, #tpu.memory_space<vmem>> -> memref<1x64xi32, #tpu.memory_space<vmem>>
        %dma_start3A_137 = tpu.memref_squeeze %dma_start3A_136 : memref<1x64xi32, #tpu.memory_space<vmem>> -> memref<64xi32, #tpu.memory_space<vmem>>
        %dma_start3A_138 = arith.constant 0 : i32
        %dma_start3A_139 = arith.constant 0 : i32
        %dma_start3A_140 = tpu.memref_slice %arg8[%dma_start3A_138, %dma_start3A_139] : memref<10112x128xf32, #tpu.memory_space<vmem_shared>> -> memref<10112x128xf32, #tpu.memory_space<vmem_shared>>
        tpu.enqueue_indirect_dma source(%arg14 : memref<64x128xf32, #tpu.memory_space<vmem>>) target(%dma_start3A_140 : memref<10112x128xf32, #tpu.memory_space<vmem_shared>>) offsets(%dma_start3A_137 : memref<64xi32, #tpu.memory_space<vmem>>) semaphore(%run_scoped3A_134 : memref<!tpu.dma_semaphore, #tpu.memory_space<semaphore_mem>>) {add = true}
        %dma_wait3A_141 = arith.constant 0 : i32
        %dma_wait3A_142 = tpu.memref_slice %arg12[%run_scoped3A_133, %dma_wait3A_141] : memref<1x64xi32, #tpu.memory_space<vmem>> -> memref<1x64xi32, #tpu.memory_space<vmem>>
        %dma_wait3A_143 = tpu.memref_squeeze %dma_wait3A_142 : memref<1x64xi32, #tpu.memory_space<vmem>> -> memref<64xi32, #tpu.memory_space<vmem>>
        %dma_wait3A_144 = arith.constant 0 : i32
        %dma_wait3A_145 = arith.constant 0 : i32
        %dma_wait3A_146 = tpu.memref_slice %arg8[%dma_wait3A_144, %dma_wait3A_145] : memref<10112x128xf32, #tpu.memory_space<vmem_shared>> -> memref<10112x128xf32, #tpu.memory_space<vmem_shared>>
        tpu.wait_indirect_dma semaphore(%run_scoped3A_134 : memref<!tpu.dma_semaphore, #tpu.memory_space<semaphore_mem>>) src(%arg14 : memref<64x128xf32, #tpu.memory_space<vmem>>) dst(%dma_wait3A_146 : memref<10112x128xf32, #tpu.memory_space<vmem_shared>>)
        tpu.yield
      }) : () -> ()
    }
    %scan3A_12 = arith.constant 79 : i32
    %barrier3A_13 = arith.constant 0 : index
    tpu.barrier barrier_id(%barrier3A_13)
    %eq3A = arith.constant 0 : i32
    %eq3A_14 = arith.cmpi eq, %arg0, %eq3A : i32
    %convert_element_type3A = arith.extui %eq3A_14 : i1 to i32
    %cond3A = arith.constant 0 : i32
    %cond3A_15 = arith.cmpi ne, %convert_element_type3A, %cond3A : i32
    scf.if %cond3A_15 {
      %mul3A_21 = arith.constant 632 : i32
      %mul3A_22 = arith.muli %arg1, %mul3A_21 : i32
      %mul3A_23 = arith.constant 632 : i32
      %mul3A_24 = arith.muli %arg1, %mul3A_23 : i32
      "tpu.region"() ({
        %run_scoped3A = tpu.sem_alloc : memref<!tpu.dma_semaphore, #tpu.memory_space<semaphore_mem>>
        %dma_start3A = arith.constant 0 : i32
        %dma_start3A_25 = tpu.memref_slice %arg6[%mul3A_24, %dma_start3A] : memref<10112x128xf32, #tpu.memory_space<hbm>> -> memref<632x128xf32, #tpu.memory_space<hbm>>
        %dma_start3A_26 = arith.constant 0 : i32
        %dma_start3A_27 = tpu.memref_slice %arg8[%mul3A_22, %dma_start3A_26] : memref<10112x128xf32, #tpu.memory_space<vmem_shared>> -> memref<632x128xf32, #tpu.memory_space<vmem_shared>>
        tpu.enqueue_dma source(%dma_start3A_27 : memref<632x128xf32, #tpu.memory_space<vmem_shared>>) target(%dma_start3A_25 : memref<632x128xf32, #tpu.memory_space<hbm>>) target_semaphore(%run_scoped3A : memref<!tpu.dma_semaphore, #tpu.memory_space<semaphore_mem>>)
        %dma_wait3A = arith.constant 0 : i32
        %dma_wait3A_28 = tpu.memref_slice %arg6[%mul3A_24, %dma_wait3A] : memref<10112x128xf32, #tpu.memory_space<hbm>> -> memref<632x128xf32, #tpu.memory_space<hbm>>
        %dma_wait3A_29 = arith.constant 0 : i32
        %dma_wait3A_30 = tpu.memref_slice %arg8[%mul3A_22, %dma_wait3A_29] : memref<10112x128xf32, #tpu.memory_space<vmem_shared>> -> memref<632x128xf32, #tpu.memory_space<vmem_shared>>
        tpu.wait_dma2 semaphore(%run_scoped3A : memref<!tpu.dma_semaphore, #tpu.memory_space<semaphore_mem>>) src(%dma_wait3A_30 : memref<632x128xf32, #tpu.memory_space<vmem_shared>>) dst(%dma_wait3A_28 : memref<632x128xf32, #tpu.memory_space<hbm>>)
        tpu.yield
      }) : () -> ()
    } else {
    }
    %eq3A_16 = arith.constant 1 : i32
    %eq3A_17 = arith.cmpi eq, %arg0, %eq3A_16 : i32
    %convert_element_type3A_18 = arith.extui %eq3A_17 : i1 to i32
    %cond3A_19 = arith.constant 0 : i32
    %cond3A_20 = arith.cmpi ne, %convert_element_type3A_18, %cond3A_19 : i32
    scf.if %cond3A_20 {
      %mul3A_21 = arith.constant 632 : i32
      %mul3A_22 = arith.muli %arg1, %mul3A_21 : i32
      %mul3A_23 = arith.constant 632 : i32
      %mul3A_24 = arith.muli %arg1, %mul3A_23 : i32
      "tpu.region"() ({
        %run_scoped3A = tpu.sem_alloc : memref<!tpu.dma_semaphore, #tpu.memory_space<semaphore_mem>>
        %dma_start3A = arith.constant 0 : i32
        %dma_start3A_25 = tpu.memref_slice %arg7[%mul3A_24, %dma_start3A] : memref<10112x128xf32, #tpu.memory_space<hbm>> -> memref<632x128xf32, #tpu.memory_space<hbm>>
        %dma_start3A_26 = arith.constant 0 : i32
        %dma_start3A_27 = tpu.memref_slice %arg8[%mul3A_22, %dma_start3A_26] : memref<10112x128xf32, #tpu.memory_space<vmem_shared>> -> memref<632x128xf32, #tpu.memory_space<vmem_shared>>
        tpu.enqueue_dma source(%dma_start3A_27 : memref<632x128xf32, #tpu.memory_space<vmem_shared>>) target(%dma_start3A_25 : memref<632x128xf32, #tpu.memory_space<hbm>>) target_semaphore(%run_scoped3A : memref<!tpu.dma_semaphore, #tpu.memory_space<semaphore_mem>>)
        %dma_wait3A = arith.constant 0 : i32
        %dma_wait3A_28 = tpu.memref_slice %arg7[%mul3A_24, %dma_wait3A] : memref<10112x128xf32, #tpu.memory_space<hbm>> -> memref<632x128xf32, #tpu.memory_space<hbm>>
        %dma_wait3A_29 = arith.constant 0 : i32
        %dma_wait3A_30 = tpu.memref_slice %arg8[%mul3A_22, %dma_wait3A_29] : memref<10112x128xf32, #tpu.memory_space<vmem_shared>> -> memref<632x128xf32, #tpu.memory_space<vmem_shared>>
        tpu.wait_dma2 semaphore(%run_scoped3A : memref<!tpu.dma_semaphore, #tpu.memory_space<semaphore_mem>>) src(%dma_wait3A_30 : memref<632x128xf32, #tpu.memory_space<vmem_shared>>) dst(%dma_wait3A_28 : memref<632x128xf32, #tpu.memory_space<hbm>>)
        tpu.yield
      }) : () -> ()
    } else {
    }
    return
  }
}

module attributes {stable_mosaic.version = 14 : i64} {
  func.func @body(%arg0: i32, %arg1: memref<1000x128xf32, #tpu.memory_space<vmem>>, %arg2: memref<1000x128xf32, #tpu.memory_space<vmem>>, %arg3: memref<1000x128xf32, #tpu.memory_space<vmem>>, %arg4: memref<128x256xf32, #tpu.memory_space<vmem>>, %arg5: memref<1x256xf32, #tpu.memory_space<vmem>>, %arg6: memref<1000x128xf32, #tpu.memory_space<vmem>>, %arg7: memref<1000x128xf32, #tpu.memory_space<vmem>>) attributes {dimension_semantics = [#tpu.dimension_semantics<arbitrary>], iteration_bounds = array<i64: 10>, scalar_prefetch = 0 : i64, scratch_operands = 0 : i64, tpu.core_type = #tpu.core_type<tc>, window_params = [{transform_indices = @transform_0, window_bounds = array<i64: 1000, 128>}, {transform_indices = @transform_1, window_bounds = array<i64: 1000, 128>}, {transform_indices = @transform_2, window_bounds = array<i64: 1000, 128>}, {pipeline_mode = #tpu.pipeline_mode<synchronous>, transform_indices = @transform_3, window_bounds = array<i64: 128, 256>}, {pipeline_mode = #tpu.pipeline_mode<synchronous>, transform_indices = @transform_4, window_bounds = array<i64: 1, 256>}, {transform_indices = @transform_5, window_bounds = array<i64: 1000, 128>}, {transform_indices = @transform_6, window_bounds = array<i64: 1000, 128>}]} {
    %get3A = arith.constant 0 : index
    %get3A_0 = arith.constant 0 : index
    %get3A_1 = vector.load %arg1[%get3A, %get3A_0] : memref<1000x128xf32, #tpu.memory_space<vmem>>, vector<1000x128xf32>
    %get3A_2 = arith.constant 0 : index
    %get3A_3 = arith.constant 0 : index
    %get3A_4 = vector.load %arg2[%get3A_2, %get3A_3] : memref<1000x128xf32, #tpu.memory_space<vmem>>, vector<1000x128xf32>
    %add3A = arith.addf %get3A_1, %get3A_4 : vector<1000x128xf32>
    %get3A_5 = arith.constant 0 : index
    %get3A_6 = arith.constant 0 : index
    %get3A_7 = vector.load %arg3[%get3A_5, %get3A_6] : memref<1000x128xf32, #tpu.memory_space<vmem>>, vector<1000x128xf32>
    %add3A_8 = arith.addf %add3A, %get3A_7 : vector<1000x128xf32>
    %get3A_9 = arith.constant 0 : index
    %get3A_10 = arith.constant 0 : index
    %get3A_11 = vector.load %arg4[%get3A_9, %get3A_10] : memref<128x256xf32, #tpu.memory_space<vmem>>, vector<128x256xf32>
    %dot_general3A = arith.constant dense<0.000000e+00> : vector<1000x256xf32>
    %dot_general3A_12 = tpu.matmul %add3A_8, %get3A_11, %dot_general3A {dimension_numbers = #tpu.dot_dimension_numbers<[1], [0], [0], [1], [0, 0, 1, 1], [], []>, precision = #tpu.contract_precision<fp32>, transpose_lhs_hint = false} : vector<1000x128xf32>, vector<128x256xf32>, vector<1000x256xf32> -> vector<1000x256xf32>
    %get3A_13 = arith.constant 0 : index
    %get3A_14 = arith.constant 0 : index
    %get3A_15 = vector.load %arg5[%get3A_13, %get3A_14] : memref<1x256xf32, #tpu.memory_space<vmem>>, vector<1x256xf32>
    %add3A_16 = vector.broadcast %get3A_15 : vector<1x256xf32> to vector<1000x256xf32>
    %add3A_17 = arith.addf %dot_general3A_12, %add3A_16 : vector<1000x256xf32>
    %max3A = arith.constant 0.000000e+00 : f32
    %max3A_18 = vector.broadcast %max3A : f32 to vector<1000x256xf32>
    %max3A_19 = arith.maximumf %add3A_17, %max3A_18 : vector<1000x256xf32>
    %slice3A = vector.extract_strided_slice %max3A_19 {offsets = [0, 0], sizes = [1000, 128], strides = [1, 1]} : vector<1000x256xf32> to vector<1000x128xf32>
    %swap3A = arith.constant 0 : index
    %swap3A_20 = arith.constant 0 : index
    %swap3A_21 = vector.load %arg6[%swap3A, %swap3A_20] : memref<1000x128xf32, #tpu.memory_space<vmem>>, vector<1000x128xf32>
    tpu.vector_store %arg6[%swap3A, %swap3A_20], %slice3A {strides = array<i32>} : memref<1000x128xf32, #tpu.memory_space<vmem>>, vector<1000x128xf32>,
    %slice3A_22 = vector.extract_strided_slice %max3A_19 {offsets = [0, 128], sizes = [1000, 128], strides = [1, 1]} : vector<1000x256xf32> to vector<1000x128xf32>
    %swap3A_23 = arith.constant 0 : index
    %swap3A_24 = arith.constant 0 : index
    %swap3A_25 = vector.load %arg7[%swap3A_23, %swap3A_24] : memref<1000x128xf32, #tpu.memory_space<vmem>>, vector<1000x128xf32>
    tpu.vector_store %arg7[%swap3A_23, %swap3A_24], %slice3A_22 {strides = array<i32>} : memref<1000x128xf32, #tpu.memory_space<vmem>>, vector<1000x128xf32>,
    return
  }
  func.func @transform_0(%arg0: i32) -> (i32, i32) {
    %c0_i32 = arith.constant 0 : i32
    %c0_i32_0 = arith.constant 0 : i32
    return %arg0, %c0_i32 : i32, i32
  }
  func.func @transform_1(%arg0: i32) -> (i32, i32) {
    %c0_i32 = arith.constant 0 : i32
    %c0_i32_0 = arith.constant 0 : i32
    return %arg0, %c0_i32 : i32, i32
  }
  func.func @transform_2(%arg0: i32) -> (i32, i32) {
    %c0_i32 = arith.constant 0 : i32
    %c0_i32_0 = arith.constant 0 : i32
    return %arg0, %c0_i32 : i32, i32
  }
  func.func @transform_3(%arg0: i32) -> (i32, i32) {
    %c0_i32 = arith.constant 0 : i32
    %c0_i32_0 = arith.constant 0 : i32
    %c0_i32_1 = arith.constant 0 : i32
    return %c0_i32, %c0_i32_0 : i32, i32
  }
  func.func @transform_4(%arg0: i32) -> (i32, i32) {
    %c0_i32 = arith.constant 0 : i32
    %c0_i32_0 = arith.constant 0 : i32
    %c0_i32_1 = arith.constant 0 : i32
    return %c0_i32, %c0_i32_0 : i32, i32
  }
  func.func @transform_5(%arg0: i32) -> (i32, i32) {
    %c0_i32 = arith.constant 0 : i32
    %c0_i32_0 = arith.constant 0 : i32
    return %arg0, %c0_i32 : i32, i32
  }
  func.func @transform_6(%arg0: i32) -> (i32, i32) {
    %c0_i32 = arith.constant 0 : i32
    %c0_i32_0 = arith.constant 0 : i32
    return %arg0, %c0_i32 : i32, i32
  }
}

module attributes {stable_mosaic.version = 14 : i64} {
  func.func @body(%arg0: i32, %arg1: memref<1000x128xf32, #tpu.memory_space<vmem>>, %arg2: memref<1000x128xf32, #tpu.memory_space<vmem>>, %arg3: memref<1000x128xf32, #tpu.memory_space<vmem>>, %arg4: memref<1000x128xf32, #tpu.memory_space<vmem>>, %arg5: memref<1000x128xf32, #tpu.memory_space<vmem>>, %arg6: memref<1000x128xf32, #tpu.memory_space<vmem>>, %arg7: memref<256x128xf32, #tpu.memory_space<vmem>>, %arg8: memref<1x128xf32, #tpu.memory_space<vmem>>, %arg9: memref<1000x128xf32, #tpu.memory_space<vmem>>) attributes {dimension_semantics = [#tpu.dimension_semantics<arbitrary>], iteration_bounds = array<i64: 10>, scalar_prefetch = 0 : i64, scratch_operands = 0 : i64, tpu.core_type = #tpu.core_type<tc>, window_params = [{transform_indices = @transform_0, window_bounds = array<i64: 1000, 128>}, {transform_indices = @transform_1, window_bounds = array<i64: 1000, 128>}, {transform_indices = @transform_2, window_bounds = array<i64: 1000, 128>}, {transform_indices = @transform_3, window_bounds = array<i64: 1000, 128>}, {transform_indices = @transform_4, window_bounds = array<i64: 1000, 128>}, {transform_indices = @transform_5, window_bounds = array<i64: 1000, 128>}, {pipeline_mode = #tpu.pipeline_mode<synchronous>, transform_indices = @transform_6, window_bounds = array<i64: 256, 128>}, {pipeline_mode = #tpu.pipeline_mode<synchronous>, transform_indices = @transform_7, window_bounds = array<i64: 1, 128>}, {transform_indices = @transform_8, window_bounds = array<i64: 1000, 128>}]} {
    %get3A = arith.constant 0 : index
    %get3A_0 = arith.constant 0 : index
    %get3A_1 = vector.load %arg1[%get3A, %get3A_0] : memref<1000x128xf32, #tpu.memory_space<vmem>>, vector<1000x128xf32>
    %get3A_2 = arith.constant 0 : index
    %get3A_3 = arith.constant 0 : index
    %get3A_4 = vector.load %arg3[%get3A_2, %get3A_3] : memref<1000x128xf32, #tpu.memory_space<vmem>>, vector<1000x128xf32>
    %add3A = arith.addf %get3A_1, %get3A_4 : vector<1000x128xf32>
    %get3A_5 = arith.constant 0 : index
    %get3A_6 = arith.constant 0 : index
    %get3A_7 = vector.load %arg4[%get3A_5, %get3A_6] : memref<1000x128xf32, #tpu.memory_space<vmem>>, vector<1000x128xf32>
    %add3A_8 = arith.addf %add3A, %get3A_7 : vector<1000x128xf32>
    %get3A_9 = arith.constant 0 : index
    %get3A_10 = arith.constant 0 : index
    %get3A_11 = vector.load %arg2[%get3A_9, %get3A_10] : memref<1000x128xf32, #tpu.memory_space<vmem>>, vector<1000x128xf32>
    %get3A_12 = arith.constant 0 : index
    %get3A_13 = arith.constant 0 : index
    %get3A_14 = vector.load %arg5[%get3A_12, %get3A_13] : memref<1000x128xf32, #tpu.memory_space<vmem>>, vector<1000x128xf32>
    %add3A_15 = arith.addf %get3A_11, %get3A_14 : vector<1000x128xf32>
    %get3A_16 = arith.constant 0 : index
    %get3A_17 = arith.constant 0 : index
    %get3A_18 = vector.load %arg6[%get3A_16, %get3A_17] : memref<1000x128xf32, #tpu.memory_space<vmem>>, vector<1000x128xf32>
    %add3A_19 = arith.addf %add3A_15, %get3A_18 : vector<1000x128xf32>
    %concatenate3A = tpu.concatenate %add3A_8, %add3A_19 in 1 : vector<1000x128xf32>, vector<1000x128xf32> -> vector<1000x256xf32>
    %get3A_20 = arith.constant 0 : index
    %get3A_21 = arith.constant 0 : index
    %get3A_22 = vector.load %arg7[%get3A_20, %get3A_21] : memref<256x128xf32, #tpu.memory_space<vmem>>, vector<256x128xf32>
    %dot_general3A = arith.constant dense<0.000000e+00> : vector<1000x128xf32>
    %dot_general3A_23 = tpu.matmul %concatenate3A, %get3A_22, %dot_general3A {dimension_numbers = #tpu.dot_dimension_numbers<[1], [0], [0], [1], [0, 0, 1, 1], [], []>, precision = #tpu.contract_precision<fp32>, transpose_lhs_hint = false} : vector<1000x256xf32>, vector<256x128xf32>, vector<1000x128xf32> -> vector<1000x128xf32>
    %get3A_24 = arith.constant 0 : index
    %get3A_25 = arith.constant 0 : index
    %get3A_26 = vector.load %arg8[%get3A_24, %get3A_25] : memref<1x128xf32, #tpu.memory_space<vmem>>, vector<1x128xf32>
    %add3A_27 = vector.broadcast %get3A_26 : vector<1x128xf32> to vector<1000x128xf32>
    %add3A_28 = arith.addf %dot_general3A_23, %add3A_27 : vector<1000x128xf32>
    %swap3A = arith.constant 0 : index
    %swap3A_29 = arith.constant 0 : index
    %swap3A_30 = vector.load %arg9[%swap3A, %swap3A_29] : memref<1000x128xf32, #tpu.memory_space<vmem>>, vector<1000x128xf32>
    tpu.vector_store %arg9[%swap3A, %swap3A_29], %add3A_28 {strides = array<i32>} : memref<1000x128xf32, #tpu.memory_space<vmem>>, vector<1000x128xf32>,
    return
  }
  func.func @transform_0(%arg0: i32) -> (i32, i32) {
    %c0_i32 = arith.constant 0 : i32
    %c0_i32_0 = arith.constant 0 : i32
    return %arg0, %c0_i32 : i32, i32
  }
  func.func @transform_1(%arg0: i32) -> (i32, i32) {
    %c0_i32 = arith.constant 0 : i32
    %c0_i32_0 = arith.constant 0 : i32
    return %arg0, %c0_i32 : i32, i32
  }
  func.func @transform_2(%arg0: i32) -> (i32, i32) {
    %c0_i32 = arith.constant 0 : i32
    %c0_i32_0 = arith.constant 0 : i32
    return %arg0, %c0_i32 : i32, i32
  }
  func.func @transform_3(%arg0: i32) -> (i32, i32) {
    %c0_i32 = arith.constant 0 : i32
    %c0_i32_0 = arith.constant 0 : i32
    return %arg0, %c0_i32 : i32, i32
  }
  func.func @transform_4(%arg0: i32) -> (i32, i32) {
    %c0_i32 = arith.constant 0 : i32
    %c0_i32_0 = arith.constant 0 : i32
    return %arg0, %c0_i32 : i32, i32
  }
  func.func @transform_5(%arg0: i32) -> (i32, i32) {
    %c0_i32 = arith.constant 0 : i32
    %c0_i32_0 = arith.constant 0 : i32
    return %arg0, %c0_i32 : i32, i32
  }
  func.func @transform_6(%arg0: i32) -> (i32, i32) {
    %c0_i32 = arith.constant 0 : i32
    %c0_i32_0 = arith.constant 0 : i32
    %c0_i32_1 = arith.constant 0 : i32
    return %c0_i32, %c0_i32_0 : i32, i32
  }
  func.func @transform_7(%arg0: i32) -> (i32, i32) {
    %c0_i32 = arith.constant 0 : i32
    %c0_i32_0 = arith.constant 0 : i32
    %c0_i32_1 = arith.constant 0 : i32
    return %c0_i32, %c0_i32_0 : i32, i32
  }
  func.func @transform_8(%arg0: i32) -> (i32, i32) {
    %c0_i32 = arith.constant 0 : i32
    %c0_i32_0 = arith.constant 0 : i32
    return %arg0, %c0_i32 : i32, i32
  }
}

</mosaic_0001>

<sc_bundles>
// kernel: kernel.10.cloned.1.call-start
scs
__scs_entry_jumppad:
0x0: {  	(pc) =	sbr.rel $0x88, $3  }
0x1: {  	(tag) =	ssettag $0x0;
	lr =	simm.s32 $0x1  }
0x2: {  	[smem:$0x3F9B] =	sst lr;
	_ =	strace $0xD0000000  }
0x3: {  	_ = 	snop  }
0x4: {  	_ = 	snop  }
0x5: {  	_ = 	snop  }
0x6: {  	_ = 	snop  }
0x7: {  	_ = 	snop  }
__scs_overlays_trampoline_lowered:
0x8: {  	[smem:$0x3FAA] =	sst s0  }
0x9: {  	[smem:$0x3FAB] =	sst s1  }
0xa: {  	[smem:$0x3FAC] =	sst s2  }
0xb: {  	[smem:$0x3FAD] =	sst s3  }
0xc: {  	[smem:$0x3FAE] =	sst s4  }
0xd: {  	[smem:$0x3FAF] =	sst s5  }
0xe: {  	[smem:$0x3FB0] =	sst s6  }
0xf: {  	[smem:$0x3FB1] =	sst s7  }
0x10: {  	[smem:$0x3FB2] =	sst s8  }
0x11: {  	[smem:$0x3FB3] =	sst s9;
	s0 =	simm.s32 @!p0 $0x0  }
0x12: {  	s1 =	sld [smem:$0x3F99];
	s0 =	simm.s32 @p0 $0x1  }
0x13: {  	[smem:$0x3FB4] =	sst s0;
	s0 =	simm.s32 @!p1 $0x0  }
0x14: {  	s2 =	sld [smem:$0x3F98];
	s0 =	simm.s32 @p1 $0x1  }
0x15: {  	[smem:$0x3FB5] =	sst s0;
	s0 =	simm.s32 @!p2 $0x0  }
0x16: {  	s3 =	sld [smem:$0x3FDB];
	s0 =	simm.s32 @p2 $0x1  }
0x17: {  	s4 =	simm.s32 $0x1BF5;
	[smem:$0x3FB7] =	sst s0  }
0x18: {  	s0 =	sld [smem:$0x3F9A];
	_ =	swait.ge [sflag:s4], $0x0  }
0x19: {  	s7 =	sld [smem:$0x3F9B]  }
0x1a: {  	s8 =	sadd.s32 $0xFFFFE003, lr  }
0x1b: {  	s9 =	sadd.s32 $0xFFFFFEF7, lr;
	s5 =	simm.s32 $0xFFFFFFFF;
	p2 =	slt.u32 s8, $0xFFFFF086  }
0x1c: {  	p1 =	slt.u32 s9, $0xF7A;
	s5 =	simm.s32 @!p2 $0x0  }
0x1d: {  	s5 =	simm.s32 @p1 $0x1;
	p0 =	seq.s32 s7, s2  }
0x1e: {  	s7 =	smul.u32 @!p0 $0xF7A, s2;
	p2 =	seq.s32 @!p0 s5, $0x0  }
0x1f: {  	s9 =	smul.u32 $0xF7A, s1;
	s8 =	simm.s32 @!p0 $0x1BF5;
	p2 =	por !p2, p0  }
0x20: {  	[sflag:s8] =	ssyncset.s32 @!p0 $0xFFFFF086;
	s6 =	sadd.s32 @!p0 s3, s7;
	s7 =	simm.s32 @!p0 $0x108  }
0x21: {  	s3 =	sadd.s32 s3, s9;
	s6 =	sadd.s32 @!p0 $0x88, s6;
	s7 =	simm.s32 @p2 $0x1082  }
0x22: {  	[simem:s7], [sflag:s8] =	dma.local @!p0 [hbm:s6], $0xF7A  }
0x23: {  	s9 =	sor.u32 $0xD0000000, s2;
	s6 =	simm.s32 $0x108;
	_ =	swait.ge @!p0 [sflag:s8], $0x0  }
0x24: {  	s3 =	sadd.s32 $0x88, s3;
	s6 =	simm.s32 @!p1 $0x1082;
	[sflag:s4] =	ssyncset.s32 $0xFFFFF086  }
0x25: {  	[simem:s6], [sflag:s4] =	dma.local [hbm:s3], $0xF7A  }
0x26: {  	[smem:$0x3F9B] =	sst s1;
	(tag) =	ssettag s2;
	_ =	strace s9  }
0x27: {  	s1 =	sld [smem:$0x3FAB]  }
0x28: {  	s2 =	sld [smem:$0x3FAC]  }
0x29: {  	s4 =	sld [smem:$0x3FAE]  }
0x2a: {  	p0 =	seq.s32 s5, $0x0;
	s5 =	sld [smem:$0x3FAF]  }
0x2b: {  	s6 =	sld [smem:$0x3FB0]  }
0x2c: {  	s7 =	sld [smem:$0x3FB1]  }
0x2d: {  	s3 =	simm.s32 $0x108;
	s8 =	sld [smem:$0x3FB2]  }
0x2e: {  	s3 =	simm.s32 @!p0 $0x1082;
	s9 =	sld [smem:$0x3FB3]  }
0x2f: {  	lr =	sadd.s32 s0, s3;
	s0 =	sld [smem:$0x3FAA]  }
0x30: {  	s3 =	sld [smem:$0x3FAD]  }
0x31: {  	[smem:$0x3FB6] =	sst s10  }
0x32: {  	s10 =	sld [smem:$0x3FB4];
	_ =	sdelay $0x3  }
0x33: {  	p0 =	seq.s32 s10, $0x1;
	s10 =	sld [smem:$0x3FB6];
	_ =	sdelay $0x3  }
0x34: {  	[smem:$0x3FB6] =	sst s10  }
0x35: {  	s10 =	sld [smem:$0x3FB5];
	_ =	sdelay $0x3  }
0x36: {  	p1 =	seq.s32 s10, $0x1;
	s10 =	sld [smem:$0x3FB6];
	_ =	sdelay $0x3  }
0x37: {  	[smem:$0x3FB6] =	sst s10  }
0x38: {  	s10 =	sld [smem:$0x3FB7]  }
0x39: {  	_ = 	snop;
	(pc) =	sbr.ind lr, $3  }
0x3a: {  	_ = 	snop  }
0x3b: {  	_ = 	snop  }
0x3c: {  	p2 =	seq.s32 s10, $0x1;
	s10 =	sld [smem:$0x3FB6]  }
0x3d: {  	_ =	shalt  }
0x3e: {  	_ =	shalt  }
0x3f: {  	_ =	shalt  }
0x40: {  	_ =	shalt  }
0x41: {  	_ =	shalt  }
0x42: {  	_ =	shalt  }
0x43: {  	_ =	shalt  }
0x44: {  	_ =	shalt  }
0x45: {  	_ =	shalt  }
0x46: {  	_ =	shalt  }
0x47: {  	_ =	shalt  }
0x48: {  	_ =	shalt  }
0x49: {  	_ =	shalt  }
0x4a: {  	_ =	shalt  }
0x4b: {  	_ =	shalt  }
0x4c: {  	_ =	shalt  }
0x4d: {  	_ =	shalt  }
0x4e: {  	_ =	shalt  }
0x4f: {  	_ =	shalt  }
0x50: {  	_ =	shalt  }
0x51: {  	_ =	shalt  }
0x52: {  	_ =	shalt  }
0x53: {  	_ =	shalt  }
0x54: {  	_ =	shalt  }
0x55: {  	_ =	shalt  }
0x56: {  	_ =	shalt  }
0x57: {  	_ =	shalt  }
0x58: {  	_ =	shalt  }
0x59: {  	_ =	shalt  }
0x5a: {  	_ =	shalt  }
0x5b: {  	_ =	shalt  }
0x5c: {  	_ =	shalt  }
0x5d: {  	_ =	shalt  }
0x5e: {  	_ =	shalt  }
0x5f: {  	_ =	shalt  }
0x60: {  	_ =	shalt  }
0x61: {  	_ =	shalt  }
0x62: {  	_ =	shalt  }
0x63: {  	_ =	shalt  }
0x64: {  	_ =	shalt  }
0x65: {  	_ =	shalt  }
0x66: {  	_ =	shalt  }
0x67: {  	_ =	shalt  }
0x68: {  	_ =	shalt  }
0x69: {  	_ =	shalt  }
0x6a: {  	_ =	shalt  }
0x6b: {  	_ =	shalt  }
0x6c: {  	_ =	shalt  }
0x6d: {  	_ =	shalt  }
0x6e: {  	_ =	shalt  }
0x6f: {  	_ =	shalt  }
0x70: {  	_ =	shalt  }
0x71: {  	_ =	shalt  }
0x72: {  	_ =	shalt  }
0x73: {  	_ =	shalt  }
0x74: {  	_ =	shalt  }
0x75: {  	_ =	shalt  }
0x76: {  	_ =	shalt  }
0x77: {  	_ =	shalt  }
0x78: {  	_ =	shalt  }
0x79: {  	_ =	shalt  }
0x7a: {  	_ =	shalt  }
0x7b: {  	_ =	shalt  }
0x7c: {  	_ =	shalt  }
0x7d: {  	_ =	shalt  }
0x7e: {  	_ =	shalt  }
0x7f: {  	_ =	shalt  }
0x80: {  	_ =	shalt  }
0x81: {  	_ =	shalt  }
0x82: {  	_ =	shalt  }
0x83: {  	_ =	shalt  }
0x84: {  	_ =	shalt  }
0x85: {  	_ =	shalt  }
0x86: {  	_ =	shalt  }
0x87: {  	_ =	shalt  }
.Lfunc_end0:
.L_simem_size_0:
called_computation.1_lowered:
.L_overlay_start_0:
0x88: {  	s2 =	sld [smem:$0x3FD9]  }
0x89: {  	s3 =	sld [smem:$0x3FFE];
	_ =	sdelay $0x1  }
0x8a: {  	s1 =	srdreg.scid  }
0x8b: {  	s0 =	sand.u32 $0x1, s1  }
0x8c: {  	s17 =	sshll.u32 s0, $0xA;
	s2 =	sadd.s32 s3, s2  }
0x8d: {  	s2 =	sadd.s32 s2, s17  }
0x8e: {  	[smem:$0x3FC2] =	sst s2  }
0x8f: {  	_ = 	snop  }
0x90: {  	s2 =	sld [smem:$0x3FD0];
	(tm) =	ssettm $0x1  }
0x91: {  	s18 =	sld [smem:$0x3FFB];
	_ =	sdelay $0x3  }
0x92: {  	_ =	strace s18  }
0x93: {  	s3 =	sld [smem:$0x3FFC];
	_ =	sdelay $0x3  }
0x94: {  	_ =	strace s3  }
0x95: {  	s3 =	sld [smem:$0x3FFD];
	_ =	sdelay $0x3  }
0x96: {  	_ =	strace s3  }
0x97: {  	_ =	strace $0x8FFFFFFF  }
0x98: {  	s19 =	sld [smem:$0x3FDB];
	_ =	sdelay $0x1  }
0x99: {  	s4 =	simm.s32 $_scs_section_size  }
0x9a: {  	s5 =	simm.s32 $_size__tile_overlayer_lowered;
	s6 =	simm.s32 $_tile_overlayer_lowered  }
0x9b: {  	s22 =	simm.s32 $0x1BFF;
	s21 =	sshll.u32 s6, $0x1;
	s3 =	sadd.s32 s4, s19  }
0x9c: {  	s7 =	simm.s32 $0x0;
	s20 =	sshll.u32 s5, $0x1;
	s5 =	sadd.s32 s21, s3  }
0x9d: {  	[timem:s7], [sflag:s22] =	dma.local [hbm:s5], s20  }
0x9e: {  	_ =	swait.ge [sflag:s22], s20  }
0x9f: {  	s4 =	ssub.s32 $0x0, s20;
	[sflag:s22] =	ssyncset.done $0x0  }
0xa0: {  	[sflag:s22] =	ssyncadd.s32 s4;
	_ =	sdelay $0x1  }
0xa1: {  	s23 =	simm.s32 $0x1B8B  }
0xa2: {  	_ =	swait.ge [sflag:s23], $0x1  }
0xa3: {  	[sflag:s23] =	ssyncset.done $0x0  }
0xa4: {  	s25 =	simm.s32 $0x1B8E;
	s24 =	sld [smem:$0x3FFE];
	[sflag:s23] =	ssyncadd.s32 $0xFFFFFFFF  }
0xa5: {  	s26 =	simm.s32 $execute0_lowered;
	[smem:$0x3FD2] =	sst s25  }
0xa6: {  	s5 =	sshll.u32 s26, $0x1;
	_ =	strace $0x80000049;
	[dreg:$0x1] =	wrdreg $0xFFFFFFFF  }
0xa7: {  	s28 =	simm.s32 $_size_execute0_lowered;
	s3 =	sadd.s32 s3, s5;
	[dreg:$0x0] =	wrdreg $0x0  }
0xa8: {  	s5 =	sshll.u32 s28, $0x1;
	[dreg:$0x2] =	wrdreg s3  }
0xa9: {  	[dreg:$0x3] =	wrdreg s5  }
0xaa: {  	[dreg:$0x4] =	wrdreg $0xC0  }
0xab: {  	_ =	task [dreg:s7], $0x5FFFF  }
0xac: {  	[dreg:$0x1] =	wrdreg $0xFFFFFFFF  }
0xad: {  	[dreg:$0x0] =	wrdreg $0x60  }
0xae: {  	[dreg:$0x2] =	wrdreg s2  }
0xaf: {  	[dreg:$0x3] =	wrdreg s24  }
0xb0: {  	[dreg:$0x4] =	wrdreg $0x0  }
0xb1: {  	[dreg:$0x5] =	wrdreg $0x9  }
0xb2: {  	_ =	task.clear_ibuf [dreg:s7], $0x6FFFF;
	_ =	strace $0x90000049  }
0xb3: {  	s29 =	simm.s32 $0x9;
	_ =	strace $0x8000004B  }
0xb4: {  	_ =	swait.ge [sflag:s29], $0x1  }
0xb5: {  	[sflag:s29] =	ssyncadd.s32 $0xFFFFFFFF  }
0xb6: {  	_ =	strace $0x9000004B  }
0xb7: {  	_ =	sfence  }
0xb8: {  	s30 =	sld [smem:$0x0];
	_ =	sdelay $0x2  }
0xb9: {  	s31 =	sshll.u32 s1, $0xD;
	s1 =	sshrl.u32 s1, $0x2  }
0xba: {  	s3 =	sand.u32 $0x4000, s31;
	s1 =	sadd.s32 s1, s30  }
0xbb: {  	s0 =	sor.u32 s3, s0;
	s1 =	sshll.u32 s1, $0x11  }
0xbc: {  	s0 =	sor.u32 s1, s0  }
0xbd: {  	s0 =	sadd.s32 $0x8F2B, s0  }
0xbe: {  	[sflag:s0] =	ssyncadd.remote.s32 $0x1  }
0xbf: {  	_ =	sfence.sel $0xFFFF  }
0xc0: {  	[dreg:$0x0] =	wrdreg $0xFFFFFFFF;
	(pc) =	sbr.abs _section_cstart, $3  }
0xc1: {  	[dreg:$0x1] =	wrdreg $0xFFFFFFFF  }
0xc2: {  	_ =	task.clear_ibuf [dreg:s7], $0x2FFFF;
	_ =	strace $0x9FFFFFFF  }
0xc3: {  	(tm) =	ssettm $0x7FFFFFFF  }
tec
execute0_lowered:
.L_overlay_start_1:
0x0: {  	(tag) =	ssettag $0x1  }
0x1: {  	s1 =	rddreg [dreg:$0x0]  }
0x2: {  	s5 =	rddreg [dreg:$0x1]  }
0x3: {  	s3 =	rddreg [dreg:$0x2];
	s4 =	simm.s32 $0x0;
	s2 =	stileid.u32  }
0x4: {  	s6 =	srdreg.scid;
	s16 =	simm.s32 $0x13C80;
	s17 =	simm.s32 $0x13D00  }
0x5: {  	s18 =	simm.s32 $0x13D80;
	s19 =	simm.s32 $0x1;
	s20 =	simm.s32 $0x40  }
0x6: {  	s21 =	simm.s32 $0x13E00;
	s22 =	simm.s32 $0x2;
	s23 =	simm.s32 $0x15E00  }
0x7: {  	s24 =	simm.s32 $0x3;
	s25 =	simm.s32 $0x4;
	s26 =	simm.s32 $0x0  }
0x8: {  	[smem:$0x7FF] =	sst s4;
	s7 =	smul.u32 $0x2780, s2;
	s8 =	sand.u32 $0x1, s6  }
0x9: {  	s11 =	smul.u32 $0x4F000, s2;
	s12 =	sadd.s32 $0xD400, s5;
	s13 =	sadd.s32 $0x3600, s5  }
0xa: {  	s29 =	sshll.u32 s2, $0x6;
	_ =	strace $0x8000004A;
	s6 =	ssub.s32 $0x2, s8  }
0xb: {  	s30 =	smul.u32 $0x27800, s8;
	p0 =	seq.s32 s8, $0x1;
	s8 =	simm.s32 $0x8D400  }
0xc: {  	s9 =	sadd.s32 s7, s5;
	s10 =	sshrl.u32 s6, $0x1;
	s28 =	sshrl.u32 s11, $0x2  }
0xd: {  	s8 =	simm.s32 @!p0 $0x65C00;
	s10 =	ssub.s32 s6, s10;
	s14 =	sadd.s32 s28, s3  }
0xe: {  	s5 =	sadd.s32 $0x17200, s9;
	s6 =	sor.u32 $0x1C05, s29;
	s11 =	sadd.s32 s7, s30  }
0xf: {  	s8 =	sadd.s32 s8, s9;
	s31 =	sor.u32 $0x40, s11;
	s15 =	sshrl.u32 s11, $0x3  }
0x10: {  	s7 =	smax.u32 s10, $0x1;
	s10 =	sshrl.u32 s31, $0x3;
	s11 =	sadd.s32 s15, s13  }
0x11: {  	s9 =	sadd.s32 s10, s13;
	s10 =	sadd.s32 s10, s12;
	s12 =	sadd.s32 s15, s12  }
0x12: {  	s13 =	sshrl.u32 s14, $0x3;
	s14 =	simm.s32 $0x5;
	s15 =	simm.s32 $0x13C00  }
.LBB2_1:
0x13: {  	[spmem:s13], [sflag:s6] =	dma.local [hbm:s5], $0x2780  }
0x14: {  	_ =	swait.ge [sflag:s14], $0x2780  }
0x15: {  	[sflag:s14] =	ssyncset.done $0x0  }
0x16: {  	[sflag:s14] =	ssyncadd.s32 $0xFFFFD880  }
0x17: {  	s28 =	sadd.s32 $0x0, s12;
	[bflag:$0x0] =	sbarrier.arrive $0xFFFF  }
0x18: {  	[tilespmem:s15], [sflag:$0x1] =	stream.linear.gather [hbm4b:s28+s4], $0x40, $0x38;
	[tilespmem:$0x17E00] =	vst v63  }
0x19: {  	s28 =	sadd.s32 $0x0, s11  }
0x1a: {  	[tilespmem:s16], [sflag:$0x1] =	stream.linear.gather [hbm4b:s28+s4], $0x40, $0x38;
	[tilespmem:$0x17E00] =	vst v63  }
0x1b: {  	s28 =	sadd.s32 $0x0, s10  }
0x1c: {  	[tilespmem:s17], [sflag:$0x2] =	stream.linear.gather [hbm4b:s28+s4], $0x40, $0x38;
	[tilespmem:$0x17E00] =	vst v63  }
0x1d: {  	s28 =	sadd.s32 $0x0, s9  }
0x1e: {  	[tilespmem:s18], [sflag:$0x2] =	stream.linear.gather [hbm4b:s28+s4], $0x40, $0x38;
	[tilespmem:$0x17E00] =	vst v63  }
0x1f: {  	_ =	swait.ge [sflag:s19], $0x40  }
0x20: {  	[sflag:s19] =	ssyncset.done $0x0  }
0x21: {  	[sflag:s19] =	ssyncadd.s32 $0xFFFFFFC0  }
0x22: {  	_ =	swait.ge [sflag:s19], $0x40  }
0x23: {  	[sflag:s19] =	ssyncset.done $0x0  }
0x24: {  	[sflag:s19] =	ssyncadd.s32 $0xFFFFFFC0  }
0x25: {  	[tilespmem:s21], [sflag:$0x3] =	stream.indirect.gather [hbm4b:s1+s20], $0x80, s15, s20, $0xb8;
	[tilespmem:$0x17E00] =	vst v63  }
0x26: {  	_ =	swait.ge [sflag:s22], $0x40  }
0x27: {  	[sflag:s22] =	ssyncset.done $0x0  }
0x28: {  	[sflag:s22] =	ssyncadd.s32 $0xFFFFFFC0  }
0x29: {  	_ =	swait.ge [sflag:s22], $0x40  }
0x2a: {  	[sflag:s22] =	ssyncset.done $0x0  }
0x2b: {  	[sflag:s22] =	ssyncadd.s32 $0xFFFFFFC0  }
0x2c: {  	[tilespmem:s23], [sflag:$0x4] =	stream.indirect.gather [hbm4b:s1+s20], $0x80, s17, s20, $0xb8;
	[tilespmem:$0x17E00] =	vst v63  }
0x2d: {  	_ =	swait.ge [sflag:s24], $0x2000  }
0x2e: {  	[sflag:s24] =	ssyncset.done $0x0  }
0x2f: {  	[sflag:s24] =	ssyncadd.s32 $0xFFFFE000  }
0x30: {  	[spmem:s3] =	stream.indirect.scatter.add.f32 [tilespmem:s21], [sflag:$0x5], $0x80, s16, s20, $0xb8;
	[tilespmem:$0x17E00] =	vst v63  }
0x31: {  	_ =	swait.ge [sflag:s14], $0x2000  }
0x32: {  	[sflag:s14] =	ssyncset.done $0x0  }
0x33: {  	[sflag:s14] =	ssyncadd.s32 $0xFFFFE000  }
0x34: {  	_ =	swait.ge [sflag:s25], $0x2000  }
0x35: {  	[sflag:s25] =	ssyncset.done $0x0  }
0x36: {  	[sflag:s25] =	ssyncadd.s32 $0xFFFFE000  }
0x37: {  	[spmem:s3] =	stream.indirect.scatter.add.f32 [tilespmem:s23], [sflag:$0x5], $0x80, s18, s20, $0xb8;
	[tilespmem:$0x17E00] =	vst v63  }
0x38: {  	_ =	swait.ge [sflag:s14], $0x2000  }
0x39: {  	s30 =	simm.s32 $0x20;
	s28 =	simm.s32 $0x10;
	[sflag:s14] =	ssyncset.done $0x0  }
.LBB2_2:
0x3a: {  	s31 =	sadd.s32 s28, s12  }
0x3b: {  	[sflag:s14] =	ssyncadd.s32 $0xFFFFE000;
	s0 =	smov.u32 s30;
	s29 =	sadd.s32 $0x10, s30  }
0x3c: {  	[tilespmem:s15], [sflag:$0x1] =	stream.linear.gather [hbm4b:s31+s4], $0x40, $0x38;
	[tilespmem:$0x17E00] =	vst v63  }
0x3d: {  	p0 =	sne.s32 s30, $0x4E0;
	s30 =	sadd.s32 s28, s11  }
0x3e: {  	[tilespmem:s16], [sflag:$0x1] =	stream.linear.gather [hbm4b:s30+s4], $0x40, $0x38;
	[tilespmem:$0x17E00] =	vst v63  }
0x3f: {  	s30 =	sadd.s32 s28, s10  }
0x40: {  	[tilespmem:s17], [sflag:$0x2] =	stream.linear.gather [hbm4b:s30+s4], $0x40, $0x38;
	[tilespmem:$0x17E00] =	vst v63  }
0x41: {  	s30 =	sadd.s32 s28, s9;
	s28 =	smov.u32 s0  }
0x42: {  	[tilespmem:s18], [sflag:$0x2] =	stream.linear.gather [hbm4b:s30+s4], $0x40, $0x38;
	[tilespmem:$0x17E00] =	vst v63  }
0x43: {  	_ =	swait.ge [sflag:s19], $0x40  }
0x44: {  	[sflag:s19] =	ssyncset.done $0x0  }
0x45: {  	[sflag:s19] =	ssyncadd.s32 $0xFFFFFFC0  }
0x46: {  	_ =	swait.ge [sflag:s19], $0x40  }
0x47: {  	[sflag:s19] =	ssyncset.done $0x0  }
0x48: {  	[sflag:s19] =	ssyncadd.s32 $0xFFFFFFC0  }
0x49: {  	[tilespmem:s21], [sflag:$0x3] =	stream.indirect.gather [hbm4b:s1+s20], $0x80, s15, s20, $0xb8;
	[tilespmem:$0x17E00] =	vst v63  }
0x4a: {  	_ =	swait.ge [sflag:s22], $0x40  }
0x4b: {  	[sflag:s22] =	ssyncset.done $0x0  }
0x4c: {  	[sflag:s22] =	ssyncadd.s32 $0xFFFFFFC0  }
0x4d: {  	_ =	swait.ge [sflag:s22], $0x40  }
0x4e: {  	[sflag:s22] =	ssyncset.done $0x0  }
0x4f: {  	[sflag:s22] =	ssyncadd.s32 $0xFFFFFFC0  }
0x50: {  	[tilespmem:s23], [sflag:$0x4] =	stream.indirect.gather [hbm4b:s1+s20], $0x80, s17, s20, $0xb8;
	[tilespmem:$0x17E00] =	vst v63  }
0x51: {  	_ =	swait.ge [sflag:s24], $0x2000  }
0x52: {  	[sflag:s24] =	ssyncset.done $0x0  }
0x53: {  	[sflag:s24] =	ssyncadd.s32 $0xFFFFE000  }
0x54: {  	[spmem:s3] =	stream.indirect.scatter.add.f32 [tilespmem:s21], [sflag:$0x5], $0x80, s16, s20, $0xb8;
	[tilespmem:$0x17E00] =	vst v63  }
0x55: {  	_ =	swait.ge [sflag:s14], $0x2000  }
0x56: {  	[sflag:s14] =	ssyncset.done $0x0  }
0x57: {  	[sflag:s14] =	ssyncadd.s32 $0xFFFFE000  }
0x58: {  	_ =	swait.ge [sflag:s25], $0x2000  }
.Ltmp0:
0x59: {  	[sflag:s25] =	ssyncset.done $0x0;
	(pc) =	sbr.rel @p0 .LBB2_2-.Ltmp0, $4  }
0x5a: {  	[sflag:s25] =	ssyncadd.s32 $0xFFFFE000  }
0x5b: {  	[spmem:s3] =	stream.indirect.scatter.add.f32 [tilespmem:s23], [sflag:$0x5], $0x80, s18, s20, $0xb8;
	[tilespmem:$0x17E00] =	vst v63  }
0x5c: {  	_ =	swait.ge [sflag:s14], $0x2000  }
0x5d: {  	s30 =	smov.u32 s29;
	[sflag:s14] =	ssyncset.done $0x0  }
0x5e: {  	s0 =	sadd.s32 s28, s12;
	[sflag:s14] =	ssyncadd.s32 $0xFFFFE000  }
0x5f: {  	[tilespmem:s15], [sflag:$0x1] =	stream.linear.gather [hbm4b:s0+s4], $0x40, $0x38;
	[tilespmem:$0x17E00] =	vst v63  }
0x60: {  	s29 =	sadd.s32 s28, s11  }
0x61: {  	[tilespmem:s16], [sflag:$0x1] =	stream.linear.gather [hbm4b:s29+s4], $0x40, $0x38;
	[tilespmem:$0x17E00] =	vst v63  }
0x62: {  	s30 =	sadd.s32 s28, s10  }
0x63: {  	[tilespmem:s17], [sflag:$0x2] =	stream.linear.gather [hbm4b:s30+s4], $0x40, $0x38;
	[tilespmem:$0x17E00] =	vst v63  }
0x64: {  	s31 =	sadd.s32 s28, s9  }
0x65: {  	[tilespmem:s18], [sflag:$0x2] =	stream.linear.gather [hbm4b:s31+s4], $0x40, $0x38;
	[tilespmem:$0x17E00] =	vst v63  }
0x66: {  	_ =	swait.ge [sflag:s19], $0x40  }
0x67: {  	[sflag:s19] =	ssyncset.done $0x0  }
0x68: {  	[sflag:s19] =	ssyncadd.s32 $0xFFFFFFC0  }
0x69: {  	_ =	swait.ge [sflag:s19], $0x40  }
0x6a: {  	[sflag:s19] =	ssyncset.done $0x0  }
0x6b: {  	[sflag:s19] =	ssyncadd.s32 $0xFFFFFFC0  }
0x6c: {  	[tilespmem:s21], [sflag:$0x3] =	stream.indirect.gather [hbm4b:s1+s20], $0x80, s15, s20, $0xb8;
	[tilespmem:$0x17E00] =	vst v63  }
0x6d: {  	_ =	swait.ge [sflag:s22], $0x40  }
0x6e: {  	[sflag:s22] =	ssyncset.done $0x0  }
0x6f: {  	[sflag:s22] =	ssyncadd.s32 $0xFFFFFFC0  }
0x70: {  	_ =	swait.ge [sflag:s22], $0x40  }
0x71: {  	[sflag:s22] =	ssyncset.done $0x0  }
0x72: {  	[sflag:s22] =	ssyncadd.s32 $0xFFFFFFC0  }
0x73: {  	[tilespmem:s23], [sflag:$0x4] =	stream.indirect.gather [hbm4b:s1+s20], $0x80, s17, s20, $0xb8;
	[tilespmem:$0x17E00] =	vst v63  }
0x74: {  	_ =	swait.ge [sflag:s24], $0x2000  }
0x75: {  	[sflag:s24] =	ssyncset.done $0x0  }
0x76: {  	[sflag:s24] =	ssyncadd.s32 $0xFFFFE000  }
0x77: {  	[spmem:s3] =	stream.indirect.scatter.add.f32 [tilespmem:s21], [sflag:$0x5], $0x80, s16, s20, $0xb8;
	[tilespmem:$0x17E00] =	vst v63  }
0x78: {  	_ =	swait.ge [sflag:s14], $0x2000  }
0x79: {  	[sflag:s14] =	ssyncset.done $0x0  }
0x7a: {  	[sflag:s14] =	ssyncadd.s32 $0xFFFFE000  }
0x7b: {  	_ =	swait.ge [sflag:s25], $0x2000  }
0x7c: {  	[sflag:s25] =	ssyncset.done $0x0  }
0x7d: {  	[sflag:s25] =	ssyncadd.s32 $0xFFFFE000  }
0x7e: {  	[spmem:s3] =	stream.indirect.scatter.add.f32 [tilespmem:s23], [sflag:$0x5], $0x80, s18, s20, $0xb8;
	[tilespmem:$0x17E00] =	vst v63  }
0x7f: {  	_ =	swait.ge [sflag:s14], $0x2000  }
0x80: {  	s26 =	sadd.s32 $0x1, s26;
	[sflag:s14] =	ssyncset.done $0x0  }
0x81: {  	p0 =	sne.s32 s26, s7;
	[sflag:s14] =	ssyncadd.s32 $0xFFFFE000  }
.Ltmp1:
0x82: {  	[bflag:$0x0] =	sbarrier.arrive $0xFFFF;
	(pc) =	sbr.rel @p0 .LBB2_1-.Ltmp1, $4  }
0x83: {  	[hbm:s8], [sflag:s6] =	dma.local [spmem:s13], $0x2780  }
0x84: {  	_ =	swait.ge [sflag:s14], $0x2780  }
0x85: {  	[sflag:s14] =	ssyncset.done $0x0  }
0x86: {  	[sflag:s14] =	ssyncadd.s32 $0xFFFFD880  }
0x87: {  	_ =	sfence.sel $0x180000  }
0x88: {  	[bflag:$0x0] =	sbarrier.arrive $0xFFFF  }
0x89: {  	_ =	strace $0x9000004A  }
0x8a: {  	[bflag:$0x2] =	sbarrier.arrive $0xFFFF  }
0x8b: {  	p0 =	sne.s32 s2, $0x0;
	s0 =	rddreg [dreg:$0x3]  }
0x8c: {  	s0 =	sadd.s32 @!p0 $0x100000, s0  }
0x8d: {  	[sflag:s0] =	ssyncadd.tile.s32 @!p0 $0x1;
	_ =	shalt  }
.Lfunc_end2:
_tile_overlayer_lowered:
.L_overlay_start_2:
0x8e: {  	(tag) =	ssettag $0x2  }
0x8f: {  	s0 =	rddreg [dreg:$0x0];
	s2 =	stileid.u32  }
0x90: {  	s1 =	rddreg [dreg:$0x1];
	p0 =	sne.s32 s2, $0x0  }
0x91: {  	s3 =	rddreg [dreg:$0x2];
	[bflag:$0x3] =	sbarrier.arrive $0xFFFF;
	s2 =	simm.s32 @!p0 $0x1C05  }
0x92: {  	[timem:s3], [sflag:s2] =	dma.local @!p0 [hbm:s0], s1  }
0x93: {  	s0 =	simm.s32 @!p0 $0x5  }
0x94: {  	_ =	swait.ge @!p0 [sflag:s0], s1  }
0x95: {  	s1 =	ssub.s32 @!p0 $0x0, s1;
	[sflag:s0] =	ssyncset.done @!p0 $0x0  }
0x96: {  	[sflag:s0] =	ssyncadd.s32 @!p0 s1  }
0x97: {  	[bflag:$0x3] =	sbarrier.arrive $0xFFFF  }
0x98: {  	_ =	shalt  }

// kernel: kernel.13.cloned.1.call-start
scs
__scs_entry_jumppad:
0x0: {  	(pc) =	sbr.rel $0x88, $3  }
0x1: {  	(tag) =	ssettag $0x0;
	lr =	simm.s32 $0x1  }
0x2: {  	[smem:$0x3F9B] =	sst lr;
	_ =	strace $0xD0000000  }
0x3: {  	_ = 	snop  }
0x4: {  	_ = 	snop  }
0x5: {  	_ = 	snop  }
0x6: {  	_ = 	snop  }
0x7: {  	_ = 	snop  }
__scs_overlays_trampoline_lowered:
0x8: {  	[smem:$0x3FAA] =	sst s0  }
0x9: {  	[smem:$0x3FAB] =	sst s1  }
0xa: {  	[smem:$0x3FAC] =	sst s2  }
0xb: {  	[smem:$0x3FAD] =	sst s3  }
0xc: {  	[smem:$0x3FAE] =	sst s4  }
0xd: {  	[smem:$0x3FAF] =	sst s5  }
0xe: {  	[smem:$0x3FB0] =	sst s6  }
0xf: {  	[smem:$0x3FB1] =	sst s7  }
0x10: {  	[smem:$0x3FB2] =	sst s8  }
0x11: {  	[smem:$0x3FB3] =	sst s9;
	s0 =	simm.s32 @!p0 $0x0  }
0x12: {  	s1 =	sld [smem:$0x3F99];
	s0 =	simm.s32 @p0 $0x1  }
0x13: {  	[smem:$0x3FB4] =	sst s0;
	s0 =	simm.s32 @!p1 $0x0  }
0x14: {  	s2 =	sld [smem:$0x3F98];
	s0 =	simm.s32 @p1 $0x1  }
0x15: {  	[smem:$0x3FB5] =	sst s0;
	s0 =	simm.s32 @!p2 $0x0  }
0x16: {  	s3 =	sld [smem:$0x3FDB];
	s0 =	simm.s32 @p2 $0x1  }
0x17: {  	s4 =	simm.s32 $0x1BF5;
	[smem:$0x3FB7] =	sst s0  }
0x18: {  	s0 =	sld [smem:$0x3F9A];
	_ =	swait.ge [sflag:s4], $0x0  }
0x19: {  	s7 =	sld [smem:$0x3F9B]  }
0x1a: {  	s8 =	sadd.s32 $0xFFFFE003, lr  }
0x1b: {  	s9 =	sadd.s32 $0xFFFFFEF7, lr;
	s5 =	simm.s32 $0xFFFFFFFF;
	p2 =	slt.u32 s8, $0xFFFFF086  }
0x1c: {  	p1 =	slt.u32 s9, $0xF7A;
	s5 =	simm.s32 @!p2 $0x0  }
0x1d: {  	s5 =	simm.s32 @p1 $0x1;
	p0 =	seq.s32 s7, s2  }
0x1e: {  	s7 =	smul.u32 @!p0 $0xF7A, s2;
	p2 =	seq.s32 @!p0 s5, $0x0  }
0x1f: {  	s9 =	smul.u32 $0xF7A, s1;
	s8 =	simm.s32 @!p0 $0x1BF5;
	p2 =	por !p2, p0  }
0x20: {  	[sflag:s8] =	ssyncset.s32 @!p0 $0xFFFFF086;
	s6 =	sadd.s32 @!p0 s3, s7;
	s7 =	simm.s32 @!p0 $0x108  }
0x21: {  	s3 =	sadd.s32 s3, s9;
	s6 =	sadd.s32 @!p0 $0x88, s6;
	s7 =	simm.s32 @p2 $0x1082  }
0x22: {  	[simem:s7], [sflag:s8] =	dma.local @!p0 [hbm:s6], $0xF7A  }
0x23: {  	s9 =	sor.u32 $0xD0000000, s2;
	s6 =	simm.s32 $0x108;
	_ =	swait.ge @!p0 [sflag:s8], $0x0  }
0x24: {  	s3 =	sadd.s32 $0x88, s3;
	s6 =	simm.s32 @!p1 $0x1082;
	[sflag:s4] =	ssyncset.s32 $0xFFFFF086  }
0x25: {  	[simem:s6], [sflag:s4] =	dma.local [hbm:s3], $0xF7A  }
0x26: {  	[smem:$0x3F9B] =	sst s1;
	(tag) =	ssettag s2;
	_ =	strace s9  }
0x27: {  	s1 =	sld [smem:$0x3FAB]  }
0x28: {  	s2 =	sld [smem:$0x3FAC]  }
0x29: {  	s4 =	sld [smem:$0x3FAE]  }
0x2a: {  	p0 =	seq.s32 s5, $0x0;
	s5 =	sld [smem:$0x3FAF]  }
0x2b: {  	s6 =	sld [smem:$0x3FB0]  }
0x2c: {  	s7 =	sld [smem:$0x3FB1]  }
0x2d: {  	s3 =	simm.s32 $0x108;
	s8 =	sld [smem:$0x3FB2]  }
0x2e: {  	s3 =	simm.s32 @!p0 $0x1082;
	s9 =	sld [smem:$0x3FB3]  }
0x2f: {  	lr =	sadd.s32 s0, s3;
	s0 =	sld [smem:$0x3FAA]  }
0x30: {  	s3 =	sld [smem:$0x3FAD]  }
0x31: {  	[smem:$0x3FB6] =	sst s10  }
0x32: {  	s10 =	sld [smem:$0x3FB4];
	_ =	sdelay $0x3  }
0x33: {  	p0 =	seq.s32 s10, $0x1;
	s10 =	sld [smem:$0x3FB6];
	_ =	sdelay $0x3  }
0x34: {  	[smem:$0x3FB6] =	sst s10  }
0x35: {  	s10 =	sld [smem:$0x3FB5];
	_ =	sdelay $0x3  }
0x36: {  	p1 =	seq.s32 s10, $0x1;
	s10 =	sld [smem:$0x3FB6];
	_ =	sdelay $0x3  }
0x37: {  	[smem:$0x3FB6] =	sst s10  }
0x38: {  	s10 =	sld [smem:$0x3FB7]  }
0x39: {  	_ = 	snop;
	(pc) =	sbr.ind lr, $3  }
0x3a: {  	_ = 	snop  }
0x3b: {  	_ = 	snop  }
0x3c: {  	p2 =	seq.s32 s10, $0x1;
	s10 =	sld [smem:$0x3FB6]  }
0x3d: {  	_ =	shalt  }
0x3e: {  	_ =	shalt  }
0x3f: {  	_ =	shalt  }
0x40: {  	_ =	shalt  }
0x41: {  	_ =	shalt  }
0x42: {  	_ =	shalt  }
0x43: {  	_ =	shalt  }
0x44: {  	_ =	shalt  }
0x45: {  	_ =	shalt  }
0x46: {  	_ =	shalt  }
0x47: {  	_ =	shalt  }
0x48: {  	_ =	shalt  }
0x49: {  	_ =	shalt  }
0x4a: {  	_ =	shalt  }
0x4b: {  	_ =	shalt  }
0x4c: {  	_ =	shalt  }
0x4d: {  	_ =	shalt  }
0x4e: {  	_ =	shalt  }
0x4f: {  	_ =	shalt  }
0x50: {  	_ =	shalt  }
0x51: {  	_ =	shalt  }
0x52: {  	_ =	shalt  }
0x53: {  	_ =	shalt  }
0x54: {  	_ =	shalt  }
0x55: {  	_ =	shalt  }
0x56: {  	_ =	shalt  }
0x57: {  	_ =	shalt  }
0x58: {  	_ =	shalt  }
0x59: {  	_ =	shalt  }
0x5a: {  	_ =	shalt  }
0x5b: {  	_ =	shalt  }
0x5c: {  	_ =	shalt  }
0x5d: {  	_ =	shalt  }
0x5e: {  	_ =	shalt  }
0x5f: {  	_ =	shalt  }
0x60: {  	_ =	shalt  }
0x61: {  	_ =	shalt  }
0x62: {  	_ =	shalt  }
0x63: {  	_ =	shalt  }
0x64: {  	_ =	shalt  }
0x65: {  	_ =	shalt  }
0x66: {  	_ =	shalt  }
0x67: {  	_ =	shalt  }
0x68: {  	_ =	shalt  }
0x69: {  	_ =	shalt  }
0x6a: {  	_ =	shalt  }
0x6b: {  	_ =	shalt  }
0x6c: {  	_ =	shalt  }
0x6d: {  	_ =	shalt  }
0x6e: {  	_ =	shalt  }
0x6f: {  	_ =	shalt  }
0x70: {  	_ =	shalt  }
0x71: {  	_ =	shalt  }
0x72: {  	_ =	shalt  }
0x73: {  	_ =	shalt  }
0x74: {  	_ =	shalt  }
0x75: {  	_ =	shalt  }
0x76: {  	_ =	shalt  }
0x77: {  	_ =	shalt  }
0x78: {  	_ =	shalt  }
0x79: {  	_ =	shalt  }
0x7a: {  	_ =	shalt  }
0x7b: {  	_ =	shalt  }
0x7c: {  	_ =	shalt  }
0x7d: {  	_ =	shalt  }
0x7e: {  	_ =	shalt  }
0x7f: {  	_ =	shalt  }
0x80: {  	_ =	shalt  }
0x81: {  	_ =	shalt  }
0x82: {  	_ =	shalt  }
0x83: {  	_ =	shalt  }
0x84: {  	_ =	shalt  }
0x85: {  	_ =	shalt  }
0x86: {  	_ =	shalt  }
0x87: {  	_ =	shalt  }
.Lfunc_end0:
.L_simem_size_0:
called_computation.2_lowered:
.L_overlay_start_0:
0x88: {  	s2 =	sld [smem:$0x3FD9]  }
0x89: {  	s3 =	sld [smem:$0x3FFE];
	_ =	sdelay $0x1  }
0x8a: {  	s1 =	srdreg.scid  }
0x8b: {  	s0 =	sand.u32 $0x1, s1  }
0x8c: {  	s17 =	sshll.u32 s0, $0xA;
	s2 =	sadd.s32 s3, s2  }
0x8d: {  	s2 =	sadd.s32 s2, s17  }
0x8e: {  	[smem:$0x3FC2] =	sst s2  }
0x8f: {  	_ = 	snop  }
0x90: {  	(tm) =	ssettm $0x1  }
0x91: {  	s18 =	sld [smem:$0x3FFB];
	_ =	sdelay $0x3  }
0x92: {  	_ =	strace s18  }
0x93: {  	s2 =	sld [smem:$0x3FFC];
	_ =	sdelay $0x3  }
0x94: {  	_ =	strace s2  }
0x95: {  	s2 =	sld [smem:$0x3FFD];
	_ =	sdelay $0x3  }
0x96: {  	_ =	strace s2  }
0x97: {  	_ =	strace $0x8FFFFFFF  }
0x98: {  	s19 =	sld [smem:$0x3FDB];
	_ =	sdelay $0x1  }
0x99: {  	s20 =	simm.s32 $_scs_section_size  }
0x9a: {  	s4 =	simm.s32 $_size__tile_overlayer_lowered;
	s5 =	simm.s32 $_tile_overlayer_lowered  }
0x9b: {  	s6 =	simm.s32 $0x1BFF;
	s21 =	sshll.u32 s5, $0x1;
	s3 =	sadd.s32 s20, s19  }
0x9c: {  	s22 =	simm.s32 $0x0;
	s4 =	sshll.u32 s4, $0x1;
	s5 =	sadd.s32 s21, s3  }
0x9d: {  	[timem:s22], [sflag:s6] =	dma.local [hbm:s5], s4  }
0x9e: {  	_ =	swait.ge [sflag:s6], s4  }
0x9f: {  	s4 =	ssub.s32 $0x0, s4;
	[sflag:s6] =	ssyncset.done $0x0  }
0xa0: {  	[sflag:s6] =	ssyncadd.s32 s4;
	_ =	sdelay $0x1  }
0xa1: {  	s23 =	simm.s32 $0x1B8B  }
0xa2: {  	_ =	swait.ge [sflag:s23], $0x1  }
0xa3: {  	[sflag:s23] =	ssyncset.done $0x0  }
0xa4: {  	[sflag:s23] =	ssyncadd.s32 $0xFFFFFFFF  }
0xa5: {  	s4 =	sld [smem:$0x0]  }
0xa6: {  	s5 =	sand.u32 $0xFFFFFFFE, s1  }
0xa7: {  	p0 =	sne.s32 s1, s5  }
0xa8: {  	s5 =	sshll.u32 @p0 s5, $0xE  }
0xa9: {  	s5 =	sadd.s32 @p0 $0x11B8D, s5;
	s6 =	sshll.u32 @p0 s4, $0x11  }
0xaa: {  	s5 =	sor.u32 @p0 s6, s5  }
0xab: {  	[sflag:s5] =	ssyncadd.remote.s32 @p0 $0x1;
	_ =	sdelay $0x1  }
0xac: {  	s5 =	simm.s32 @p0 $0x1B8D  }
0xad: {  	_ =	swait.eq @p0 [sflag:s5], $0x1  }
0xae: {  	[sflag:s5] =	ssyncadd.s32 @p0 $0xFFFFFFFF  }
0xaf: {  	s6 =	sshll.u32 @!p0 s1, $0xE  }
0xb0: {  	s6 =	sor.u32 @!p0 $0x4000, s6;
	s5 =	simm.s32 @!p0 $0x1B8D  }
0xb1: {  	s4 =	sshll.u32 @!p0 s4, $0x11;
	s6 =	sadd.s32 @!p0 $0x11B8D, s6;
	_ =	swait.eq @!p0 [sflag:s5], $0x1  }
0xb2: {  	s4 =	sor.u32 @!p0 s4, s6;
	[sflag:s5] =	ssyncadd.s32 @!p0 $0xFFFFFFFF  }
0xb3: {  	s25 =	simm.s32 $0x1B8E;
	s24 =	sld [smem:$0x3FFE];
	[sflag:s4] =	ssyncadd.remote.s32 @!p0 $0x1  }
0xb4: {  	s26 =	simm.s32 $execute0_lowered;
	[smem:$0x3FD2] =	sst s25  }
0xb5: {  	s5 =	sshll.u32 s26, $0x1;
	_ =	strace $0x8000004C;
	[dreg:$0x1] =	wrdreg $0xFFFFFFFF  }
0xb6: {  	s28 =	simm.s32 $_size_execute0_lowered;
	s3 =	sadd.s32 s3, s5;
	[dreg:$0x0] =	wrdreg $0x0  }
0xb7: {  	s5 =	sshll.u32 s28, $0x1;
	[dreg:$0x2] =	wrdreg s3  }
0xb8: {  	[dreg:$0x3] =	wrdreg s5  }
0xb9: {  	[dreg:$0x4] =	wrdreg $0xC0  }
0xba: {  	_ =	task [dreg:s22], $0x5FFFF  }
0xbb: {  	[dreg:$0x1] =	wrdreg $0xFFFFFFFF  }
0xbc: {  	[dreg:$0x0] =	wrdreg $0x60  }
0xbd: {  	[dreg:$0x2] =	wrdreg s24  }
0xbe: {  	[dreg:$0x3] =	wrdreg $0x0  }
0xbf: {  	[dreg:$0x4] =	wrdreg $0xA  }
0xc0: {  	_ =	task.clear_ibuf [dreg:s22], $0x5FFFF;
	_ =	strace $0x9000004C  }
0xc1: {  	s29 =	simm.s32 $0xA;
	_ =	strace $0x8000004E  }
0xc2: {  	_ =	swait.ge [sflag:s29], $0x1  }
0xc3: {  	[sflag:s29] =	ssyncadd.s32 $0xFFFFFFFF  }
0xc4: {  	_ =	strace $0x9000004E  }
0xc5: {  	_ =	sfence  }
0xc6: {  	s30 =	sld [smem:$0x0];
	_ =	sdelay $0x2  }
0xc7: {  	s31 =	sshll.u32 s1, $0xD;
	s1 =	sshrl.u32 s1, $0x2  }
0xc8: {  	s4 =	sand.u32 $0x4000, s31;
	s1 =	sadd.s32 s1, s30  }
0xc9: {  	s0 =	sor.u32 s4, s0;
	s1 =	sshll.u32 s1, $0x11  }
0xca: {  	s0 =	sor.u32 s1, s0  }
0xcb: {  	s0 =	sadd.s32 $0x8F2B, s0  }
0xcc: {  	[sflag:s0] =	ssyncadd.remote.s32 $0x1  }
0xcd: {  	_ =	sfence.sel $0xFFFF  }
0xce: {  	[dreg:$0x0] =	wrdreg $0xFFFFFFFF;
	(pc) =	sbr.abs _section_cstart, $3  }
0xcf: {  	[dreg:$0x1] =	wrdreg $0xFFFFFFFF  }
0xd0: {  	_ =	task.clear_ibuf [dreg:s22], $0x2FFFF;
	_ =	strace $0x9FFFFFFF  }
0xd1: {  	(tm) =	ssettm $0x7FFFFFFF  }
tec
execute0_lowered:
.L_overlay_start_1:
0x0: {  	(tag) =	ssettag $0x1  }
0x1: {  	s5 =	rddreg [dreg:$0x0]  }
0x2: {  	s2 =	rddreg [dreg:$0x1]  }
0x3: {  	s3 =	simm.s32 $0x0;
	s1 =	stileid.u32;
	s4 =	srdreg.scid  }
0x4: {  	s16 =	simm.s32 $0x13C80;
	s17 =	simm.s32 $0x13D00;
	s18 =	simm.s32 $0x13D80  }
0x5: {  	s19 =	simm.s32 $0x1;
	s20 =	simm.s32 $0x40;
	s21 =	simm.s32 $0x13E00  }
0x6: {  	s22 =	simm.s32 $0x2;
	s23 =	simm.s32 $0x15E00;
	s24 =	simm.s32 $0x3  }
0x7: {  	s25 =	simm.s32 $0x4;
	s26 =	simm.s32 $0x0;
	[smem:$0x7FF] =	sst s3  }
0x8: {  	s7 =	smul.u32 $0x2780, s1;
	s8 =	sand.u32 $0x1, s4;
	s4 =	sadd.s32 $0x3EA00, s5  }
0x9: {  	s11 =	smul.u32 $0x4F000, s1;
	s12 =	sadd.s32 $0xD400, s5;
	s13 =	sadd.s32 $0x3600, s5  }
0xa: {  	s29 =	sshll.u32 s1, $0x6;
	_ =	strace $0x8000004D;
	s6 =	ssub.s32 $0x2, s8  }
0xb: {  	s30 =	smul.u32 $0x27800, s8;
	p0 =	seq.s32 s8, $0x1;
	s8 =	simm.s32 $0xDC400  }
0xc: {  	s9 =	sadd.s32 s7, s5;
	s10 =	sshrl.u32 s6, $0x1;
	s28 =	sshrl.u32 s11, $0x2  }
0xd: {  	s8 =	simm.s32 @!p0 $0xB4C00;
	s10 =	ssub.s32 s6, s10;
	s14 =	sadd.s32 s28, s2  }
0xe: {  	s5 =	sadd.s32 $0x17200, s9;
	s6 =	sor.u32 $0x1C05, s29;
	s11 =	sadd.s32 s7, s30  }
0xf: {  	s8 =	sadd.s32 s8, s9;
	s31 =	sor.u32 $0x40, s11;
	s15 =	sshrl.u32 s11, $0x3  }
0x10: {  	s7 =	smax.u32 s10, $0x1;
	s10 =	sshrl.u32 s31, $0x3;
	s11 =	sadd.s32 s15, s13  }
0x11: {  	s9 =	sadd.s32 s10, s13;
	s10 =	sadd.s32 s10, s12;
	s12 =	sadd.s32 s15, s12  }
0x12: {  	s13 =	sshrl.u32 s14, $0x3;
	s14 =	simm.s32 $0x5;
	s15 =	simm.s32 $0x13C00  }
.LBB2_1:
0x13: {  	[spmem:s13], [sflag:s6] =	dma.local [hbm:s5], $0x2780  }
0x14: {  	_ =	swait.ge [sflag:s14], $0x2780  }
0x15: {  	[sflag:s14] =	ssyncset.done $0x0  }
0x16: {  	[sflag:s14] =	ssyncadd.s32 $0xFFFFD880  }
0x17: {  	s28 =	sadd.s32 $0x0, s12;
	[bflag:$0x0] =	sbarrier.arrive $0xFFFF  }
0x18: {  	[tilespmem:s15], [sflag:$0x1] =	stream.linear.gather [hbm4b:s28+s3], $0x40, $0x38;
	[tilespmem:$0x17E00] =	vst v63  }
0x19: {  	s28 =	sadd.s32 $0x0, s11  }
0x1a: {  	[tilespmem:s16], [sflag:$0x1] =	stream.linear.gather [hbm4b:s28+s3], $0x40, $0x38;
	[tilespmem:$0x17E00] =	vst v63  }
0x1b: {  	s28 =	sadd.s32 $0x0, s10  }
0x1c: {  	[tilespmem:s17], [sflag:$0x2] =	stream.linear.gather [hbm4b:s28+s3], $0x40, $0x38;
	[tilespmem:$0x17E00] =	vst v63  }
0x1d: {  	s28 =	sadd.s32 $0x0, s9  }
0x1e: {  	[tilespmem:s18], [sflag:$0x2] =	stream.linear.gather [hbm4b:s28+s3], $0x40, $0x38;
	[tilespmem:$0x17E00] =	vst v63  }
0x1f: {  	_ =	swait.ge [sflag:s19], $0x40  }
0x20: {  	[sflag:s19] =	ssyncset.done $0x0  }
0x21: {  	[sflag:s19] =	ssyncadd.s32 $0xFFFFFFC0  }
0x22: {  	_ =	swait.ge [sflag:s19], $0x40  }
0x23: {  	[sflag:s19] =	ssyncset.done $0x0  }
0x24: {  	[sflag:s19] =	ssyncadd.s32 $0xFFFFFFC0  }
0x25: {  	[tilespmem:s21], [sflag:$0x3] =	stream.indirect.gather [hbm4b:s4+s20], $0x80, s15, s20, $0xb8;
	[tilespmem:$0x17E00] =	vst v63  }
0x26: {  	_ =	swait.ge [sflag:s22], $0x40  }
0x27: {  	[sflag:s22] =	ssyncset.done $0x0  }
0x28: {  	[sflag:s22] =	ssyncadd.s32 $0xFFFFFFC0  }
0x29: {  	_ =	swait.ge [sflag:s22], $0x40  }
0x2a: {  	[sflag:s22] =	ssyncset.done $0x0  }
0x2b: {  	[sflag:s22] =	ssyncadd.s32 $0xFFFFFFC0  }
0x2c: {  	[tilespmem:s23], [sflag:$0x4] =	stream.indirect.gather [hbm4b:s4+s20], $0x80, s17, s20, $0xb8;
	[tilespmem:$0x17E00] =	vst v63  }
0x2d: {  	_ =	swait.ge [sflag:s24], $0x2000  }
0x2e: {  	[sflag:s24] =	ssyncset.done $0x0  }
0x2f: {  	[sflag:s24] =	ssyncadd.s32 $0xFFFFE000  }
0x30: {  	[spmem:s2] =	stream.indirect.scatter.add.f32 [tilespmem:s21], [sflag:$0x5], $0x80, s16, s20, $0xb8;
	[tilespmem:$0x17E00] =	vst v63  }
0x31: {  	_ =	swait.ge [sflag:s14], $0x2000  }
0x32: {  	[sflag:s14] =	ssyncset.done $0x0  }
0x33: {  	[sflag:s14] =	ssyncadd.s32 $0xFFFFE000  }
0x34: {  	_ =	swait.ge [sflag:s25], $0x2000  }
0x35: {  	[sflag:s25] =	ssyncset.done $0x0  }
0x36: {  	[sflag:s25] =	ssyncadd.s32 $0xFFFFE000  }
0x37: {  	[spmem:s2] =	stream.indirect.scatter.add.f32 [tilespmem:s23], [sflag:$0x5], $0x80, s18, s20, $0xb8;
	[tilespmem:$0x17E00] =	vst v63  }
0x38: {  	_ =	swait.ge [sflag:s14], $0x2000  }
0x39: {  	s30 =	simm.s32 $0x20;
	s28 =	simm.s32 $0x10;
	[sflag:s14] =	ssyncset.done $0x0  }
.LBB2_2:
0x3a: {  	s31 =	sadd.s32 s28, s12  }
0x3b: {  	[sflag:s14] =	ssyncadd.s32 $0xFFFFE000;
	s0 =	smov.u32 s30;
	s29 =	sadd.s32 $0x10, s30  }
0x3c: {  	[tilespmem:s15], [sflag:$0x1] =	stream.linear.gather [hbm4b:s31+s3], $0x40, $0x38;
	[tilespmem:$0x17E00] =	vst v63  }
0x3d: {  	p0 =	sne.s32 s30, $0x4E0;
	s30 =	sadd.s32 s28, s11  }
0x3e: {  	[tilespmem:s16], [sflag:$0x1] =	stream.linear.gather [hbm4b:s30+s3], $0x40, $0x38;
	[tilespmem:$0x17E00] =	vst v63  }
0x3f: {  	s30 =	sadd.s32 s28, s10  }
0x40: {  	[tilespmem:s17], [sflag:$0x2] =	stream.linear.gather [hbm4b:s30+s3], $0x40, $0x38;
	[tilespmem:$0x17E00] =	vst v63  }
0x41: {  	s30 =	sadd.s32 s28, s9;
	s28 =	smov.u32 s0  }
0x42: {  	[tilespmem:s18], [sflag:$0x2] =	stream.linear.gather [hbm4b:s30+s3], $0x40, $0x38;
	[tilespmem:$0x17E00] =	vst v63  }
0x43: {  	_ =	swait.ge [sflag:s19], $0x40  }
0x44: {  	[sflag:s19] =	ssyncset.done $0x0  }
0x45: {  	[sflag:s19] =	ssyncadd.s32 $0xFFFFFFC0  }
0x46: {  	_ =	swait.ge [sflag:s19], $0x40  }
0x47: {  	[sflag:s19] =	ssyncset.done $0x0  }
0x48: {  	[sflag:s19] =	ssyncadd.s32 $0xFFFFFFC0  }
0x49: {  	[tilespmem:s21], [sflag:$0x3] =	stream.indirect.gather [hbm4b:s4+s20], $0x80, s15, s20, $0xb8;
	[tilespmem:$0x17E00] =	vst v63  }
0x4a: {  	_ =	swait.ge [sflag:s22], $0x40  }
0x4b: {  	[sflag:s22] =	ssyncset.done $0x0  }
0x4c: {  	[sflag:s22] =	ssyncadd.s32 $0xFFFFFFC0  }
0x4d: {  	_ =	swait.ge [sflag:s22], $0x40  }
0x4e: {  	[sflag:s22] =	ssyncset.done $0x0  }
0x4f: {  	[sflag:s22] =	ssyncadd.s32 $0xFFFFFFC0  }
0x50: {  	[tilespmem:s23], [sflag:$0x4] =	stream.indirect.gather [hbm4b:s4+s20], $0x80, s17, s20, $0xb8;
	[tilespmem:$0x17E00] =	vst v63  }
0x51: {  	_ =	swait.ge [sflag:s24], $0x2000  }
0x52: {  	[sflag:s24] =	ssyncset.done $0x0  }
0x53: {  	[sflag:s24] =	ssyncadd.s32 $0xFFFFE000  }
0x54: {  	[spmem:s2] =	stream.indirect.scatter.add.f32 [tilespmem:s21], [sflag:$0x5], $0x80, s16, s20, $0xb8;
	[tilespmem:$0x17E00] =	vst v63  }
0x55: {  	_ =	swait.ge [sflag:s14], $0x2000  }
0x56: {  	[sflag:s14] =	ssyncset.done $0x0  }
0x57: {  	[sflag:s14] =	ssyncadd.s32 $0xFFFFE000  }
0x58: {  	_ =	swait.ge [sflag:s25], $0x2000  }
.Ltmp0:
0x59: {  	[sflag:s25] =	ssyncset.done $0x0;
	(pc) =	sbr.rel @p0 .LBB2_2-.Ltmp0, $4  }
0x5a: {  	[sflag:s25] =	ssyncadd.s32 $0xFFFFE000  }
0x5b: {  	[spmem:s2] =	stream.indirect.scatter.add.f32 [tilespmem:s23], [sflag:$0x5], $0x80, s18, s20, $0xb8;
	[tilespmem:$0x17E00] =	vst v63  }
0x5c: {  	_ =	swait.ge [sflag:s14], $0x2000  }
0x5d: {  	s30 =	smov.u32 s29;
	[sflag:s14] =	ssyncset.done $0x0  }
0x5e: {  	s0 =	sadd.s32 s28, s12;
	[sflag:s14] =	ssyncadd.s32 $0xFFFFE000  }
0x5f: {  	[tilespmem:s15], [sflag:$0x1] =	stream.linear.gather [hbm4b:s0+s3], $0x40, $0x38;
	[tilespmem:$0x17E00] =	vst v63  }
0x60: {  	s29 =	sadd.s32 s28, s11  }
0x61: {  	[tilespmem:s16], [sflag:$0x1] =	stream.linear.gather [hbm4b:s29+s3], $0x40, $0x38;
	[tilespmem:$0x17E00] =	vst v63  }
0x62: {  	s30 =	sadd.s32 s28, s10  }
0x63: {  	[tilespmem:s17], [sflag:$0x2] =	stream.linear.gather [hbm4b:s30+s3], $0x40, $0x38;
	[tilespmem:$0x17E00] =	vst v63  }
0x64: {  	s31 =	sadd.s32 s28, s9  }
0x65: {  	[tilespmem:s18], [sflag:$0x2] =	stream.linear.gather [hbm4b:s31+s3], $0x40, $0x38;
	[tilespmem:$0x17E00] =	vst v63  }
0x66: {  	_ =	swait.ge [sflag:s19], $0x40  }
0x67: {  	[sflag:s19] =	ssyncset.done $0x0  }
0x68: {  	[sflag:s19] =	ssyncadd.s32 $0xFFFFFFC0  }
0x69: {  	_ =	swait.ge [sflag:s19], $0x40  }
0x6a: {  	[sflag:s19] =	ssyncset.done $0x0  }
0x6b: {  	[sflag:s19] =	ssyncadd.s32 $0xFFFFFFC0  }
0x6c: {  	[tilespmem:s21], [sflag:$0x3] =	stream.indirect.gather [hbm4b:s4+s20], $0x80, s15, s20, $0xb8;
	[tilespmem:$0x17E00] =	vst v63  }
0x6d: {  	_ =	swait.ge [sflag:s22], $0x40  }
0x6e: {  	[sflag:s22] =	ssyncset.done $0x0  }
0x6f: {  	[sflag:s22] =	ssyncadd.s32 $0xFFFFFFC0  }
0x70: {  	_ =	swait.ge [sflag:s22], $0x40  }
0x71: {  	[sflag:s22] =	ssyncset.done $0x0  }
0x72: {  	[sflag:s22] =	ssyncadd.s32 $0xFFFFFFC0  }
0x73: {  	[tilespmem:s23], [sflag:$0x4] =	stream.indirect.gather [hbm4b:s4+s20], $0x80, s17, s20, $0xb8;
	[tilespmem:$0x17E00] =	vst v63  }
0x74: {  	_ =	swait.ge [sflag:s24], $0x2000  }
0x75: {  	[sflag:s24] =	ssyncset.done $0x0  }
0x76: {  	[sflag:s24] =	ssyncadd.s32 $0xFFFFE000  }
0x77: {  	[spmem:s2] =	stream.indirect.scatter.add.f32 [tilespmem:s21], [sflag:$0x5], $0x80, s16, s20, $0xb8;
	[tilespmem:$0x17E00] =	vst v63  }
0x78: {  	_ =	swait.ge [sflag:s14], $0x2000  }
0x79: {  	[sflag:s14] =	ssyncset.done $0x0  }
0x7a: {  	[sflag:s14] =	ssyncadd.s32 $0xFFFFE000  }
0x7b: {  	_ =	swait.ge [sflag:s25], $0x2000  }
0x7c: {  	[sflag:s25] =	ssyncset.done $0x0  }
0x7d: {  	[sflag:s25] =	ssyncadd.s32 $0xFFFFE000  }
0x7e: {  	[spmem:s2] =	stream.indirect.scatter.add.f32 [tilespmem:s23], [sflag:$0x5], $0x80, s18, s20, $0xb8;
	[tilespmem:$0x17E00] =	vst v63  }
0x7f: {  	_ =	swait.ge [sflag:s14], $0x2000  }
0x80: {  	s26 =	sadd.s32 $0x1, s26;
	[sflag:s14] =	ssyncset.done $0x0  }
0x81: {  	p0 =	sne.s32 s26, s7;
	[sflag:s14] =	ssyncadd.s32 $0xFFFFE000  }
.Ltmp1:
0x82: {  	[bflag:$0x0] =	sbarrier.arrive $0xFFFF;
	(pc) =	sbr.rel @p0 .LBB2_1-.Ltmp1, $4  }
0x83: {  	[hbm:s8], [sflag:s6] =	dma.local [spmem:s13], $0x2780  }
0x84: {  	_ =	swait.ge [sflag:s14], $0x2780  }
0x85: {  	[sflag:s14] =	ssyncset.done $0x0  }
0x86: {  	[sflag:s14] =	ssyncadd.s32 $0xFFFFD880  }
0x87: {  	_ =	sfence.sel $0x180000  }
0x88: {  	[bflag:$0x0] =	sbarrier.arrive $0xFFFF  }
0x89: {  	_ =	strace $0x9000004D  }
0x8a: {  	[bflag:$0x2] =	sbarrier.arrive $0xFFFF  }
0x8b: {  	p0 =	sne.s32 s1, $0x0;
	s0 =	rddreg [dreg:$0x2]  }
0x8c: {  	s0 =	sadd.s32 @!p0 $0x100000, s0  }
0x8d: {  	[sflag:s0] =	ssyncadd.tile.s32 @!p0 $0x1;
	_ =	shalt  }
.Lfunc_end2:
_tile_overlayer_lowered:
.L_overlay_start_2:
0x8e: {  	(tag) =	ssettag $0x2  }
0x8f: {  	s0 =	rddreg [dreg:$0x0];
	s2 =	stileid.u32  }
0x90: {  	s1 =	rddreg [dreg:$0x1];
	p0 =	sne.s32 s2, $0x0  }
0x91: {  	s3 =	rddreg [dreg:$0x2];
	[bflag:$0x3] =	sbarrier.arrive $0xFFFF;
	s2 =	simm.s32 @!p0 $0x1C05  }
0x92: {  	[timem:s3], [sflag:s2] =	dma.local @!p0 [hbm:s0], s1  }
0x93: {  	s0 =	simm.s32 @!p0 $0x5  }
0x94: {  	_ =	swait.ge @!p0 [sflag:s0], s1  }
0x95: {  	s1 =	ssub.s32 @!p0 $0x0, s1;
	[sflag:s0] =	ssyncset.done @!p0 $0x0  }
0x96: {  	[sflag:s0] =	ssyncadd.s32 @!p0 s1  }
0x97: {  	[bflag:$0x3] =	sbarrier.arrive $0xFFFF  }
0x98: {  	_ =	shalt  }

// kernel: kernel.7.cloned.1.call-start
scs
__scs_entry_jumppad:
0x0: {  	(pc) =	sbr.rel $0x88, $3  }
0x1: {  	(tag) =	ssettag $0x0;
	lr =	simm.s32 $0x1  }
0x2: {  	[smem:$0x3F9B] =	sst lr;
	_ =	strace $0xD0000000  }
0x3: {  	_ = 	snop  }
0x4: {  	_ = 	snop  }
0x5: {  	_ = 	snop  }
0x6: {  	_ = 	snop  }
0x7: {  	_ = 	snop  }
__scs_overlays_trampoline_lowered:
0x8: {  	[smem:$0x3FAA] =	sst s0  }
0x9: {  	[smem:$0x3FAB] =	sst s1  }
0xa: {  	[smem:$0x3FAC] =	sst s2  }
0xb: {  	[smem:$0x3FAD] =	sst s3  }
0xc: {  	[smem:$0x3FAE] =	sst s4  }
0xd: {  	[smem:$0x3FAF] =	sst s5  }
0xe: {  	[smem:$0x3FB0] =	sst s6  }
0xf: {  	[smem:$0x3FB1] =	sst s7  }
0x10: {  	[smem:$0x3FB2] =	sst s8  }
0x11: {  	[smem:$0x3FB3] =	sst s9;
	s0 =	simm.s32 @!p0 $0x0  }
0x12: {  	s1 =	sld [smem:$0x3F99];
	s0 =	simm.s32 @p0 $0x1  }
0x13: {  	[smem:$0x3FB4] =	sst s0;
	s0 =	simm.s32 @!p1 $0x0  }
0x14: {  	s2 =	sld [smem:$0x3F98];
	s0 =	simm.s32 @p1 $0x1  }
0x15: {  	[smem:$0x3FB5] =	sst s0;
	s0 =	simm.s32 @!p2 $0x0  }
0x16: {  	s3 =	sld [smem:$0x3FDB];
	s0 =	simm.s32 @p2 $0x1  }
0x17: {  	s4 =	simm.s32 $0x1BF5;
	[smem:$0x3FB7] =	sst s0  }
0x18: {  	s0 =	sld [smem:$0x3F9A];
	_ =	swait.ge [sflag:s4], $0x0  }
0x19: {  	s7 =	sld [smem:$0x3F9B]  }
0x1a: {  	s8 =	sadd.s32 $0xFFFFE003, lr  }
0x1b: {  	s9 =	sadd.s32 $0xFFFFFEF7, lr;
	s5 =	simm.s32 $0xFFFFFFFF;
	p2 =	slt.u32 s8, $0xFFFFF086  }
0x1c: {  	p1 =	slt.u32 s9, $0xF7A;
	s5 =	simm.s32 @!p2 $0x0  }
0x1d: {  	s5 =	simm.s32 @p1 $0x1;
	p0 =	seq.s32 s7, s2  }
0x1e: {  	s7 =	smul.u32 @!p0 $0xF7A, s2;
	p2 =	seq.s32 @!p0 s5, $0x0  }
0x1f: {  	s9 =	smul.u32 $0xF7A, s1;
	s8 =	simm.s32 @!p0 $0x1BF5;
	p2 =	por !p2, p0  }
0x20: {  	[sflag:s8] =	ssyncset.s32 @!p0 $0xFFFFF086;
	s6 =	sadd.s32 @!p0 s3, s7;
	s7 =	simm.s32 @!p0 $0x108  }
0x21: {  	s3 =	sadd.s32 s3, s9;
	s6 =	sadd.s32 @!p0 $0x88, s6;
	s7 =	simm.s32 @p2 $0x1082  }
0x22: {  	[simem:s7], [sflag:s8] =	dma.local @!p0 [hbm:s6], $0xF7A  }
0x23: {  	s9 =	sor.u32 $0xD0000000, s2;
	s6 =	simm.s32 $0x108;
	_ =	swait.ge @!p0 [sflag:s8], $0x0  }
0x24: {  	s3 =	sadd.s32 $0x88, s3;
	s6 =	simm.s32 @!p1 $0x1082;
	[sflag:s4] =	ssyncset.s32 $0xFFFFF086  }
0x25: {  	[simem:s6], [sflag:s4] =	dma.local [hbm:s3], $0xF7A  }
0x26: {  	[smem:$0x3F9B] =	sst s1;
	(tag) =	ssettag s2;
	_ =	strace s9  }
0x27: {  	s1 =	sld [smem:$0x3FAB]  }
0x28: {  	s2 =	sld [smem:$0x3FAC]  }
0x29: {  	s4 =	sld [smem:$0x3FAE]  }
0x2a: {  	p0 =	seq.s32 s5, $0x0;
	s5 =	sld [smem:$0x3FAF]  }
0x2b: {  	s6 =	sld [smem:$0x3FB0]  }
0x2c: {  	s7 =	sld [smem:$0x3FB1]  }
0x2d: {  	s3 =	simm.s32 $0x108;
	s8 =	sld [smem:$0x3FB2]  }
0x2e: {  	s3 =	simm.s32 @!p0 $0x1082;
	s9 =	sld [smem:$0x3FB3]  }
0x2f: {  	lr =	sadd.s32 s0, s3;
	s0 =	sld [smem:$0x3FAA]  }
0x30: {  	s3 =	sld [smem:$0x3FAD]  }
0x31: {  	[smem:$0x3FB6] =	sst s10  }
0x32: {  	s10 =	sld [smem:$0x3FB4];
	_ =	sdelay $0x3  }
0x33: {  	p0 =	seq.s32 s10, $0x1;
	s10 =	sld [smem:$0x3FB6];
	_ =	sdelay $0x3  }
0x34: {  	[smem:$0x3FB6] =	sst s10  }
0x35: {  	s10 =	sld [smem:$0x3FB5];
	_ =	sdelay $0x3  }
0x36: {  	p1 =	seq.s32 s10, $0x1;
	s10 =	sld [smem:$0x3FB6];
	_ =	sdelay $0x3  }
0x37: {  	[smem:$0x3FB6] =	sst s10  }
0x38: {  	s10 =	sld [smem:$0x3FB7]  }
0x39: {  	_ = 	snop;
	(pc) =	sbr.ind lr, $3  }
0x3a: {  	_ = 	snop  }
0x3b: {  	_ = 	snop  }
0x3c: {  	p2 =	seq.s32 s10, $0x1;
	s10 =	sld [smem:$0x3FB6]  }
0x3d: {  	_ =	shalt  }
0x3e: {  	_ =	shalt  }
0x3f: {  	_ =	shalt  }
0x40: {  	_ =	shalt  }
0x41: {  	_ =	shalt  }
0x42: {  	_ =	shalt  }
0x43: {  	_ =	shalt  }
0x44: {  	_ =	shalt  }
0x45: {  	_ =	shalt  }
0x46: {  	_ =	shalt  }
0x47: {  	_ =	shalt  }
0x48: {  	_ =	shalt  }
0x49: {  	_ =	shalt  }
0x4a: {  	_ =	shalt  }
0x4b: {  	_ =	shalt  }
0x4c: {  	_ =	shalt  }
0x4d: {  	_ =	shalt  }
0x4e: {  	_ =	shalt  }
0x4f: {  	_ =	shalt  }
0x50: {  	_ =	shalt  }
0x51: {  	_ =	shalt  }
0x52: {  	_ =	shalt  }
0x53: {  	_ =	shalt  }
0x54: {  	_ =	shalt  }
0x55: {  	_ =	shalt  }
0x56: {  	_ =	shalt  }
0x57: {  	_ =	shalt  }
0x58: {  	_ =	shalt  }
0x59: {  	_ =	shalt  }
0x5a: {  	_ =	shalt  }
0x5b: {  	_ =	shalt  }
0x5c: {  	_ =	shalt  }
0x5d: {  	_ =	shalt  }
0x5e: {  	_ =	shalt  }
0x5f: {  	_ =	shalt  }
0x60: {  	_ =	shalt  }
0x61: {  	_ =	shalt  }
0x62: {  	_ =	shalt  }
0x63: {  	_ =	shalt  }
0x64: {  	_ =	shalt  }
0x65: {  	_ =	shalt  }
0x66: {  	_ =	shalt  }
0x67: {  	_ =	shalt  }
0x68: {  	_ =	shalt  }
0x69: {  	_ =	shalt  }
0x6a: {  	_ =	shalt  }
0x6b: {  	_ =	shalt  }
0x6c: {  	_ =	shalt  }
0x6d: {  	_ =	shalt  }
0x6e: {  	_ =	shalt  }
0x6f: {  	_ =	shalt  }
0x70: {  	_ =	shalt  }
0x71: {  	_ =	shalt  }
0x72: {  	_ =	shalt  }
0x73: {  	_ =	shalt  }
0x74: {  	_ =	shalt  }
0x75: {  	_ =	shalt  }
0x76: {  	_ =	shalt  }
0x77: {  	_ =	shalt  }
0x78: {  	_ =	shalt  }
0x79: {  	_ =	shalt  }
0x7a: {  	_ =	shalt  }
0x7b: {  	_ =	shalt  }
0x7c: {  	_ =	shalt  }
0x7d: {  	_ =	shalt  }
0x7e: {  	_ =	shalt  }
0x7f: {  	_ =	shalt  }
0x80: {  	_ =	shalt  }
0x81: {  	_ =	shalt  }
0x82: {  	_ =	shalt  }
0x83: {  	_ =	shalt  }
0x84: {  	_ =	shalt  }
0x85: {  	_ =	shalt  }
0x86: {  	_ =	shalt  }
0x87: {  	_ =	shalt  }
.Lfunc_end0:
.L_simem_size_0:
called_computation_lowered:
.L_overlay_start_0:
0x88: {  	s2 =	sld [smem:$0x3FD9]  }
0x89: {  	s3 =	sld [smem:$0x3FFE];
	_ =	sdelay $0x1  }
0x8a: {  	s1 =	srdreg.scid  }
0x8b: {  	s0 =	sand.u32 $0x1, s1  }
0x8c: {  	s17 =	sshll.u32 s0, $0xA;
	s2 =	sadd.s32 s3, s2  }
0x8d: {  	s2 =	sadd.s32 s2, s17  }
0x8e: {  	[smem:$0x3FC2] =	sst s2  }
0x8f: {  	_ = 	snop  }
0x90: {  	s2 =	sld [smem:$0x3FC9];
	(tm) =	ssettm $0x1  }
0x91: {  	s18 =	sld [smem:$0x3FFB];
	_ =	sdelay $0x3  }
0x92: {  	_ =	strace s18  }
0x93: {  	s3 =	sld [smem:$0x3FFC];
	_ =	sdelay $0x3  }
0x94: {  	_ =	strace s3  }
0x95: {  	s3 =	sld [smem:$0x3FFD];
	_ =	sdelay $0x3  }
0x96: {  	_ =	strace s3  }
0x97: {  	_ =	strace $0x8FFFFFFF  }
0x98: {  	s19 =	sld [smem:$0x3FDB];
	_ =	sdelay $0x1  }
0x99: {  	s4 =	simm.s32 $_scs_section_size  }
0x9a: {  	s5 =	simm.s32 $_size__tile_overlayer_lowered;
	s6 =	simm.s32 $_tile_overlayer_lowered  }
0x9b: {  	s22 =	simm.s32 $0x1BFF;
	s21 =	sshll.u32 s6, $0x1;
	s3 =	sadd.s32 s4, s19  }
0x9c: {  	s7 =	simm.s32 $0x0;
	s20 =	sshll.u32 s5, $0x1;
	s5 =	sadd.s32 s21, s3  }
0x9d: {  	[timem:s7], [sflag:s22] =	dma.local [hbm:s5], s20  }
0x9e: {  	_ =	swait.ge [sflag:s22], s20  }
0x9f: {  	s4 =	ssub.s32 $0x0, s20;
	[sflag:s22] =	ssyncset.done $0x0  }
0xa0: {  	[sflag:s22] =	ssyncadd.s32 s4;
	_ =	sdelay $0x1  }
0xa1: {  	s23 =	simm.s32 $0x1B8B  }
0xa2: {  	_ =	swait.ge [sflag:s23], $0x1  }
0xa3: {  	[sflag:s23] =	ssyncset.done $0x0  }
0xa4: {  	s25 =	simm.s32 $0x1B8E;
	s24 =	sld [smem:$0x3FFE];
	[sflag:s23] =	ssyncadd.s32 $0xFFFFFFFF  }
0xa5: {  	s26 =	simm.s32 $execute0_lowered;
	[smem:$0x3FD2] =	sst s25  }
0xa6: {  	s5 =	sshll.u32 s26, $0x1;
	_ =	strace $0x80000046;
	[dreg:$0x1] =	wrdreg $0xFFFFFFFF  }
0xa7: {  	s28 =	simm.s32 $_size_execute0_lowered;
	s3 =	sadd.s32 s3, s5;
	[dreg:$0x0] =	wrdreg $0x0  }
0xa8: {  	s5 =	sshll.u32 s28, $0x1;
	[dreg:$0x2] =	wrdreg s3  }
0xa9: {  	[dreg:$0x3] =	wrdreg s5  }
0xaa: {  	[dreg:$0x4] =	wrdreg $0xC0  }
0xab: {  	_ =	task [dreg:s7], $0x5FFFF  }
0xac: {  	[dreg:$0x1] =	wrdreg $0xFFFFFFFF  }
0xad: {  	[dreg:$0x0] =	wrdreg $0x60  }
0xae: {  	[dreg:$0x2] =	wrdreg s2  }
0xaf: {  	[dreg:$0x3] =	wrdreg s24  }
0xb0: {  	[dreg:$0x4] =	wrdreg $0x0  }
0xb1: {  	[dreg:$0x5] =	wrdreg $0x9  }
0xb2: {  	_ =	task.clear_ibuf [dreg:s7], $0x6FFFF;
	_ =	strace $0x90000046  }
0xb3: {  	s29 =	simm.s32 $0x9;
	_ =	strace $0x80000048  }
0xb4: {  	_ =	swait.ge [sflag:s29], $0x1  }
0xb5: {  	[sflag:s29] =	ssyncadd.s32 $0xFFFFFFFF  }
0xb6: {  	_ =	strace $0x90000048  }
0xb7: {  	_ =	sfence  }
0xb8: {  	s30 =	sld [smem:$0x0];
	_ =	sdelay $0x2  }
0xb9: {  	s31 =	sshll.u32 s1, $0xD;
	s1 =	sshrl.u32 s1, $0x2  }
0xba: {  	s3 =	sand.u32 $0x4000, s31;
	s1 =	sadd.s32 s1, s30  }
0xbb: {  	s0 =	sor.u32 s3, s0;
	s1 =	sshll.u32 s1, $0x11  }
0xbc: {  	s0 =	sor.u32 s1, s0  }
0xbd: {  	s0 =	sadd.s32 $0x8F2B, s0  }
0xbe: {  	[sflag:s0] =	ssyncadd.remote.s32 $0x1  }
0xbf: {  	_ =	sfence.sel $0xFFFF  }
0xc0: {  	[dreg:$0x0] =	wrdreg $0xFFFFFFFF;
	(pc) =	sbr.abs _section_cstart, $3  }
0xc1: {  	[dreg:$0x1] =	wrdreg $0xFFFFFFFF  }
0xc2: {  	_ =	task.clear_ibuf [dreg:s7], $0x2FFFF;
	_ =	strace $0x9FFFFFFF  }
0xc3: {  	(tm) =	ssettm $0x7FFFFFFF  }
tec
execute0_lowered:
.L_overlay_start_1:
0x0: {  	(tag) =	ssettag $0x1  }
0x1: {  	s1 =	rddreg [dreg:$0x0]  }
0x2: {  	s5 =	rddreg [dreg:$0x1]  }
0x3: {  	s3 =	rddreg [dreg:$0x2];
	s4 =	simm.s32 $0x0;
	s2 =	stileid.u32  }
0x4: {  	s6 =	srdreg.scid;
	s16 =	simm.s32 $0x13C80;
	s17 =	simm.s32 $0x13D00  }
0x5: {  	s18 =	simm.s32 $0x13D80;
	s19 =	simm.s32 $0x1;
	s20 =	simm.s32 $0x40  }
0x6: {  	s21 =	simm.s32 $0x13E00;
	s22 =	simm.s32 $0x2;
	s23 =	simm.s32 $0x15E00  }
0x7: {  	s24 =	simm.s32 $0x3;
	s25 =	simm.s32 $0x4;
	s26 =	simm.s32 $0x0  }
0x8: {  	[smem:$0x7FF] =	sst s4;
	s7 =	smul.u32 $0x2780, s2;
	s8 =	sand.u32 $0x1, s6  }
0x9: {  	s11 =	smul.u32 $0x4F000, s2;
	s12 =	sadd.s32 $0xD400, s5;
	s13 =	sadd.s32 $0x3600, s5  }
0xa: {  	s29 =	sshll.u32 s2, $0x6;
	_ =	strace $0x80000047;
	s6 =	ssub.s32 $0x2, s8  }
0xb: {  	s30 =	smul.u32 $0x27800, s8;
	p0 =	seq.s32 s8, $0x1;
	s8 =	simm.s32 $0x66200  }
0xc: {  	s9 =	sadd.s32 s7, s5;
	s10 =	sshrl.u32 s6, $0x1;
	s28 =	sshrl.u32 s11, $0x2  }
0xd: {  	s8 =	simm.s32 @!p0 $0x3EA00;
	s10 =	ssub.s32 s6, s10;
	s14 =	sadd.s32 s28, s3  }
0xe: {  	s5 =	sadd.s32 $0x17200, s9;
	s6 =	sor.u32 $0x1C05, s29;
	s11 =	sadd.s32 s7, s30  }
0xf: {  	s8 =	sadd.s32 s8, s9;
	s31 =	sor.u32 $0x40, s11;
	s15 =	sshrl.u32 s11, $0x3  }
0x10: {  	s7 =	smax.u32 s10, $0x1;
	s10 =	sshrl.u32 s31, $0x3;
	s11 =	sadd.s32 s15, s13  }
0x11: {  	s9 =	sadd.s32 s10, s13;
	s10 =	sadd.s32 s10, s12;
	s12 =	sadd.s32 s15, s12  }
0x12: {  	s13 =	sshrl.u32 s14, $0x3;
	s14 =	simm.s32 $0x5;
	s15 =	simm.s32 $0x13C00  }
.LBB2_1:
0x13: {  	[spmem:s13], [sflag:s6] =	dma.local [hbm:s5], $0x2780  }
0x14: {  	_ =	swait.ge [sflag:s14], $0x2780  }
0x15: {  	[sflag:s14] =	ssyncset.done $0x0  }
0x16: {  	[sflag:s14] =	ssyncadd.s32 $0xFFFFD880  }
0x17: {  	s28 =	sadd.s32 $0x0, s12;
	[bflag:$0x0] =	sbarrier.arrive $0xFFFF  }
0x18: {  	[tilespmem:s15], [sflag:$0x1] =	stream.linear.gather [hbm4b:s28+s4], $0x40, $0x38;
	[tilespmem:$0x17E00] =	vst v63  }
0x19: {  	s28 =	sadd.s32 $0x0, s11  }
0x1a: {  	[tilespmem:s16], [sflag:$0x1] =	stream.linear.gather [hbm4b:s28+s4], $0x40, $0x38;
	[tilespmem:$0x17E00] =	vst v63  }
0x1b: {  	s28 =	sadd.s32 $0x0, s10  }
0x1c: {  	[tilespmem:s17], [sflag:$0x2] =	stream.linear.gather [hbm4b:s28+s4], $0x40, $0x38;
	[tilespmem:$0x17E00] =	vst v63  }
0x1d: {  	s28 =	sadd.s32 $0x0, s9  }
0x1e: {  	[tilespmem:s18], [sflag:$0x2] =	stream.linear.gather [hbm4b:s28+s4], $0x40, $0x38;
	[tilespmem:$0x17E00] =	vst v63  }
0x1f: {  	_ =	swait.ge [sflag:s19], $0x40  }
0x20: {  	[sflag:s19] =	ssyncset.done $0x0  }
0x21: {  	[sflag:s19] =	ssyncadd.s32 $0xFFFFFFC0  }
0x22: {  	_ =	swait.ge [sflag:s19], $0x40  }
0x23: {  	[sflag:s19] =	ssyncset.done $0x0  }
0x24: {  	[sflag:s19] =	ssyncadd.s32 $0xFFFFFFC0  }
0x25: {  	[tilespmem:s21], [sflag:$0x3] =	stream.indirect.gather [hbm4b:s1+s20], $0x80, s15, s20, $0xb8;
	[tilespmem:$0x17E00] =	vst v63  }
0x26: {  	_ =	swait.ge [sflag:s22], $0x40  }
0x27: {  	[sflag:s22] =	ssyncset.done $0x0  }
0x28: {  	[sflag:s22] =	ssyncadd.s32 $0xFFFFFFC0  }
0x29: {  	_ =	swait.ge [sflag:s22], $0x40  }
0x2a: {  	[sflag:s22] =	ssyncset.done $0x0  }
0x2b: {  	[sflag:s22] =	ssyncadd.s32 $0xFFFFFFC0  }
0x2c: {  	[tilespmem:s23], [sflag:$0x4] =	stream.indirect.gather [hbm4b:s1+s20], $0x80, s17, s20, $0xb8;
	[tilespmem:$0x17E00] =	vst v63  }
0x2d: {  	_ =	swait.ge [sflag:s24], $0x2000  }
0x2e: {  	[sflag:s24] =	ssyncset.done $0x0  }
0x2f: {  	[sflag:s24] =	ssyncadd.s32 $0xFFFFE000  }
0x30: {  	[spmem:s3] =	stream.indirect.scatter.add.f32 [tilespmem:s21], [sflag:$0x5], $0x80, s16, s20, $0xb8;
	[tilespmem:$0x17E00] =	vst v63  }
0x31: {  	_ =	swait.ge [sflag:s14], $0x2000  }
0x32: {  	[sflag:s14] =	ssyncset.done $0x0  }
0x33: {  	[sflag:s14] =	ssyncadd.s32 $0xFFFFE000  }
0x34: {  	_ =	swait.ge [sflag:s25], $0x2000  }
0x35: {  	[sflag:s25] =	ssyncset.done $0x0  }
0x36: {  	[sflag:s25] =	ssyncadd.s32 $0xFFFFE000  }
0x37: {  	[spmem:s3] =	stream.indirect.scatter.add.f32 [tilespmem:s23], [sflag:$0x5], $0x80, s18, s20, $0xb8;
	[tilespmem:$0x17E00] =	vst v63  }
0x38: {  	_ =	swait.ge [sflag:s14], $0x2000  }
0x39: {  	s30 =	simm.s32 $0x20;
	s28 =	simm.s32 $0x10;
	[sflag:s14] =	ssyncset.done $0x0  }
.LBB2_2:
0x3a: {  	s31 =	sadd.s32 s28, s12  }
0x3b: {  	[sflag:s14] =	ssyncadd.s32 $0xFFFFE000;
	s0 =	smov.u32 s30;
	s29 =	sadd.s32 $0x10, s30  }
0x3c: {  	[tilespmem:s15], [sflag:$0x1] =	stream.linear.gather [hbm4b:s31+s4], $0x40, $0x38;
	[tilespmem:$0x17E00] =	vst v63  }
0x3d: {  	p0 =	sne.s32 s30, $0x4E0;
	s30 =	sadd.s32 s28, s11  }
0x3e: {  	[tilespmem:s16], [sflag:$0x1] =	stream.linear.gather [hbm4b:s30+s4], $0x40, $0x38;
	[tilespmem:$0x17E00] =	vst v63  }
0x3f: {  	s30 =	sadd.s32 s28, s10  }
0x40: {  	[tilespmem:s17], [sflag:$0x2] =	stream.linear.gather [hbm4b:s30+s4], $0x40, $0x38;
	[tilespmem:$0x17E00] =	vst v63  }
0x41: {  	s30 =	sadd.s32 s28, s9;
	s28 =	smov.u32 s0  }
0x42: {  	[tilespmem:s18], [sflag:$0x2] =	stream.linear.gather [hbm4b:s30+s4], $0x40, $0x38;
	[tilespmem:$0x17E00] =	vst v63  }
0x43: {  	_ =	swait.ge [sflag:s19], $0x40  }
0x44: {  	[sflag:s19] =	ssyncset.done $0x0  }
0x45: {  	[sflag:s19] =	ssyncadd.s32 $0xFFFFFFC0  }
0x46: {  	_ =	swait.ge [sflag:s19], $0x40  }
0x47: {  	[sflag:s19] =	ssyncset.done $0x0  }
0x48: {  	[sflag:s19] =	ssyncadd.s32 $0xFFFFFFC0  }
0x49: {  	[tilespmem:s21], [sflag:$0x3] =	stream.indirect.gather [hbm4b:s1+s20], $0x80, s15, s20, $0xb8;
	[tilespmem:$0x17E00] =	vst v63  }
0x4a: {  	_ =	swait.ge [sflag:s22], $0x40  }
0x4b: {  	[sflag:s22] =	ssyncset.done $0x0  }
0x4c: {  	[sflag:s22] =	ssyncadd.s32 $0xFFFFFFC0  }
0x4d: {  	_ =	swait.ge [sflag:s22], $0x40  }
0x4e: {  	[sflag:s22] =	ssyncset.done $0x0  }
0x4f: {  	[sflag:s22] =	ssyncadd.s32 $0xFFFFFFC0  }
0x50: {  	[tilespmem:s23], [sflag:$0x4] =	stream.indirect.gather [hbm4b:s1+s20], $0x80, s17, s20, $0xb8;
	[tilespmem:$0x17E00] =	vst v63  }
0x51: {  	_ =	swait.ge [sflag:s24], $0x2000  }
0x52: {  	[sflag:s24] =	ssyncset.done $0x0  }
0x53: {  	[sflag:s24] =	ssyncadd.s32 $0xFFFFE000  }
0x54: {  	[spmem:s3] =	stream.indirect.scatter.add.f32 [tilespmem:s21], [sflag:$0x5], $0x80, s16, s20, $0xb8;
	[tilespmem:$0x17E00] =	vst v63  }
0x55: {  	_ =	swait.ge [sflag:s14], $0x2000  }
0x56: {  	[sflag:s14] =	ssyncset.done $0x0  }
0x57: {  	[sflag:s14] =	ssyncadd.s32 $0xFFFFE000  }
0x58: {  	_ =	swait.ge [sflag:s25], $0x2000  }
.Ltmp0:
0x59: {  	[sflag:s25] =	ssyncset.done $0x0;
	(pc) =	sbr.rel @p0 .LBB2_2-.Ltmp0, $4  }
0x5a: {  	[sflag:s25] =	ssyncadd.s32 $0xFFFFE000  }
0x5b: {  	[spmem:s3] =	stream.indirect.scatter.add.f32 [tilespmem:s23], [sflag:$0x5], $0x80, s18, s20, $0xb8;
	[tilespmem:$0x17E00] =	vst v63  }
0x5c: {  	_ =	swait.ge [sflag:s14], $0x2000  }
0x5d: {  	s30 =	smov.u32 s29;
	[sflag:s14] =	ssyncset.done $0x0  }
0x5e: {  	s0 =	sadd.s32 s28, s12;
	[sflag:s14] =	ssyncadd.s32 $0xFFFFE000  }
0x5f: {  	[tilespmem:s15], [sflag:$0x1] =	stream.linear.gather [hbm4b:s0+s4], $0x40, $0x38;
	[tilespmem:$0x17E00] =	vst v63  }
0x60: {  	s29 =	sadd.s32 s28, s11  }
0x61: {  	[tilespmem:s16], [sflag:$0x1] =	stream.linear.gather [hbm4b:s29+s4], $0x40, $0x38;
	[tilespmem:$0x17E00] =	vst v63  }
0x62: {  	s30 =	sadd.s32 s28, s10  }
0x63: {  	[tilespmem:s17], [sflag:$0x2] =	stream.linear.gather [hbm4b:s30+s4], $0x40, $0x38;
	[tilespmem:$0x17E00] =	vst v63  }
0x64: {  	s31 =	sadd.s32 s28, s9  }
0x65: {  	[tilespmem:s18], [sflag:$0x2] =	stream.linear.gather [hbm4b:s31+s4], $0x40, $0x38;
	[tilespmem:$0x17E00] =	vst v63  }
0x66: {  	_ =	swait.ge [sflag:s19], $0x40  }
0x67: {  	[sflag:s19] =	ssyncset.done $0x0  }
0x68: {  	[sflag:s19] =	ssyncadd.s32 $0xFFFFFFC0  }
0x69: {  	_ =	swait.ge [sflag:s19], $0x40  }
0x6a: {  	[sflag:s19] =	ssyncset.done $0x0  }
0x6b: {  	[sflag:s19] =	ssyncadd.s32 $0xFFFFFFC0  }
0x6c: {  	[tilespmem:s21], [sflag:$0x3] =	stream.indirect.gather [hbm4b:s1+s20], $0x80, s15, s20, $0xb8;
	[tilespmem:$0x17E00] =	vst v63  }
0x6d: {  	_ =	swait.ge [sflag:s22], $0x40  }
0x6e: {  	[sflag:s22] =	ssyncset.done $0x0  }
0x6f: {  	[sflag:s22] =	ssyncadd.s32 $0xFFFFFFC0  }
0x70: {  	_ =	swait.ge [sflag:s22], $0x40  }
0x71: {  	[sflag:s22] =	ssyncset.done $0x0  }
0x72: {  	[sflag:s22] =	ssyncadd.s32 $0xFFFFFFC0  }
0x73: {  	[tilespmem:s23], [sflag:$0x4] =	stream.indirect.gather [hbm4b:s1+s20], $0x80, s17, s20, $0xb8;
	[tilespmem:$0x17E00] =	vst v63  }
0x74: {  	_ =	swait.ge [sflag:s24], $0x2000  }
0x75: {  	[sflag:s24] =	ssyncset.done $0x0  }
0x76: {  	[sflag:s24] =	ssyncadd.s32 $0xFFFFE000  }
0x77: {  	[spmem:s3] =	stream.indirect.scatter.add.f32 [tilespmem:s21], [sflag:$0x5], $0x80, s16, s20, $0xb8;
	[tilespmem:$0x17E00] =	vst v63  }
0x78: {  	_ =	swait.ge [sflag:s14], $0x2000  }
0x79: {  	[sflag:s14] =	ssyncset.done $0x0  }
0x7a: {  	[sflag:s14] =	ssyncadd.s32 $0xFFFFE000  }
0x7b: {  	_ =	swait.ge [sflag:s25], $0x2000  }
0x7c: {  	[sflag:s25] =	ssyncset.done $0x0  }
0x7d: {  	[sflag:s25] =	ssyncadd.s32 $0xFFFFE000  }
0x7e: {  	[spmem:s3] =	stream.indirect.scatter.add.f32 [tilespmem:s23], [sflag:$0x5], $0x80, s18, s20, $0xb8;
	[tilespmem:$0x17E00] =	vst v63  }
0x7f: {  	_ =	swait.ge [sflag:s14], $0x2000  }
0x80: {  	s26 =	sadd.s32 $0x1, s26;
	[sflag:s14] =	ssyncset.done $0x0  }
0x81: {  	p0 =	sne.s32 s26, s7;
	[sflag:s14] =	ssyncadd.s32 $0xFFFFE000  }
.Ltmp1:
0x82: {  	[bflag:$0x0] =	sbarrier.arrive $0xFFFF;
	(pc) =	sbr.rel @p0 .LBB2_1-.Ltmp1, $4  }
0x83: {  	[hbm:s8], [sflag:s6] =	dma.local [spmem:s13], $0x2780  }
0x84: {  	_ =	swait.ge [sflag:s14], $0x2780  }
0x85: {  	[sflag:s14] =	ssyncset.done $0x0  }
0x86: {  	[sflag:s14] =	ssyncadd.s32 $0xFFFFD880  }
0x87: {  	_ =	sfence.sel $0x180000  }
0x88: {  	[bflag:$0x0] =	sbarrier.arrive $0xFFFF  }
0x89: {  	_ =	strace $0x90000047  }
0x8a: {  	[bflag:$0x2] =	sbarrier.arrive $0xFFFF  }
0x8b: {  	p0 =	sne.s32 s2, $0x0;
	s0 =	rddreg [dreg:$0x3]  }
0x8c: {  	s0 =	sadd.s32 @!p0 $0x100000, s0  }
0x8d: {  	[sflag:s0] =	ssyncadd.tile.s32 @!p0 $0x1;
	_ =	shalt  }
.Lfunc_end2:
_tile_overlayer_lowered:
.L_overlay_start_2:
0x8e: {  	(tag) =	ssettag $0x2  }
0x8f: {  	s0 =	rddreg [dreg:$0x0];
	s2 =	stileid.u32  }
0x90: {  	s1 =	rddreg [dreg:$0x1];
	p0 =	sne.s32 s2, $0x0  }
0x91: {  	s3 =	rddreg [dreg:$0x2];
	[bflag:$0x3] =	sbarrier.arrive $0xFFFF;
	s2 =	simm.s32 @!p0 $0x1C05  }
0x92: {  	[timem:s3], [sflag:s2] =	dma.local @!p0 [hbm:s0], s1  }
0x93: {  	s0 =	simm.s32 @!p0 $0x5  }
0x94: {  	_ =	swait.ge @!p0 [sflag:s0], s1  }
0x95: {  	s1 =	ssub.s32 @!p0 $0x0, s1;
	[sflag:s0] =	ssyncset.done @!p0 $0x0  }
0x96: {  	[sflag:s0] =	ssyncadd.s32 @!p0 s1  }
0x97: {  	[bflag:$0x3] =	sbarrier.arrive $0xFFFF  }
0x98: {  	_ =	shalt  }

</sc_bundles>
